<compile_context>
chip_gen: v7x
topology: tpu7x:2x2x1
jax: 0.10.2.dev20260603
libtpu: 0.0.44.dev20260713+nightly
codegen_flags: <defaults>
</compile_context>

<pallas_src>
import functools

import jax
import jax.numpy as jnp
from jax import lax
from jax.experimental import pallas as pl
from jax.experimental.pallas import tpu as pltpu
from jax.experimental.pallas import tpu_sc as plsc

N = 10000
E = 320000
F_IN = 30
H = 128
NUM_GRAPHS = 64

NC = 2
NS = 16
NW = NC * NS
EPT = E // NW
CHUNK = 80
NCHUNK = EPT // CHUNK
ROWS_PT = N // NS
ZR = 25

ROW_BLK = 1000
GRID = N // ROW_BLK

_sc_mesh = plsc.VectorSubcoreMesh(core_axis_name="c", subcore_axis_name="s")


@functools.partial(
    pl.kernel,
    mesh=_sc_mesh,
    out_type=(
        jax.ShapeDtypeStruct((N, H), jnp.float32),
        jax.ShapeDtypeStruct((N, H), jnp.float32),
    ),
    scratch_types=[
        pltpu.VMEM_SHARED((N, H), jnp.float32),
        pltpu.VMEM((CHUNK,), jnp.int32),
        pltpu.VMEM((CHUNK,), jnp.int32),
        pltpu.VMEM((CHUNK, H), jnp.float32),
        pltpu.VMEM((ZR, H), jnp.float32),
        pltpu.SemaphoreType.DMA,
    ],
)
def _sc_edge_aggr(h_hbm, src_hbm, dst_hbm, out0_hbm, out1_hbm,
                  acc, sidx, didx, rows, zbuf, sem):
    cid = lax.axis_index("c")
    sid = lax.axis_index("s")
    wid = sid * NC + cid

    zeros16 = jnp.zeros((16,), jnp.float32)

    def _zero_row(r, carry):
        for j in range(H // 16):
            zbuf[r, pl.ds(j * 16, 16)] = zeros16
        return carry

    lax.fori_loop(0, ZR, _zero_row, 0)

    def _zero_acc(k, carry):
        pltpu.sync_copy(zbuf, acc.at[pl.ds(sid * ROWS_PT + k * ZR, ZR)])
        return carry

    lax.fori_loop(0, ROWS_PT // ZR, _zero_acc, 0)
    plsc.subcore_barrier()

    base_e = wid * EPT

    def _chunk(i, carry):
        off = base_e + i * CHUNK
        pltpu.sync_copy(src_hbm.at[pl.ds(off, CHUNK)], sidx)
        pltpu.sync_copy(dst_hbm.at[pl.ds(off, CHUNK)], didx)
        pltpu.async_copy(h_hbm.at[sidx], rows, sem).wait()
        pltpu.sync_copy(rows, acc.at[didx], add=True)
        return carry

    lax.fori_loop(0, NCHUNK, _chunk, 0)
    plsc.subcore_barrier()

    my_rows = pl.ds(sid * 624, 624)
    tail = pl.ds(N - 16, 16)

    @pl.when(cid == 0)
    def _():
        pltpu.sync_copy(acc.at[my_rows], out0_hbm.at[my_rows])

        @pl.when(sid == NS - 1)
        def _():
            pltpu.sync_copy(acc.at[tail], out0_hbm.at[tail])

    @pl.when(cid == 1)
    def _():
        pltpu.sync_copy(acc.at[my_rows], out1_hbm.at[my_rows])

        @pl.when(sid == NS - 1)
        def _():
            pltpu.sync_copy(acc.at[tail], out1_hbm.at[tail])


def _init_body(x_ref, w_ref, b_ref, o_ref):
    o_ref[...] = (
        jnp.dot(x_ref[...], w_ref[...], preferred_element_type=jnp.float32)
        + b_ref[...]
    )


def _mlp_body(h_ref, a0_ref, a1_ref, wa_ref, ba_ref, wb_ref, bb_ref, o_ref,
              *, last):
    z = h_ref[...] + a0_ref[...] + a1_ref[...]
    z = jnp.dot(z, wa_ref[...], preferred_element_type=jnp.float32) + ba_ref[...]
    z = jnp.maximum(z, 0.0)
    z = jnp.dot(z, wb_ref[...], preferred_element_type=jnp.float32) + bb_ref[...]
    if not last:
        z = jnp.maximum(z, 0.0)
    o_ref[...] = z


def _readout_body(h_ref, b_ref, wp1_ref, bp1_ref, wp2_ref, bp2_ref, o_ref,
                  g_acc):
    i = pl.program_id(0)

    @pl.when(i == 0)
    def _():
        g_acc[...] = jnp.zeros_like(g_acc)

    bids = b_ref[0, 0, :]
    onehot = (
        bids[:, None] == lax.broadcasted_iota(jnp.int32, (ROW_BLK, NUM_GRAPHS), 1)
    ).astype(jnp.float32)
    g_acc[...] += lax.dot_general(
        onehot, h_ref[...], (((0,), (0,)), ((), ())),
        preferred_element_type=jnp.float32,
    )

    @pl.when(i == pl.num_programs(0) - 1)
    def _():
        g = g_acc[...]
        y = jnp.maximum(
            jnp.dot(g, wp1_ref[...], preferred_element_type=jnp.float32)
            + bp1_ref[...],
            0.0,
        )
        o_ref[...] = (
            jnp.dot(y, wp2_ref[...], preferred_element_type=jnp.float32)
            + bp2_ref[...]
        )


_full = lambda shape: pl.BlockSpec(shape, lambda i: (0,) * len(shape))
_rows = lambda w: pl.BlockSpec((ROW_BLK, w), lambda i: (i, 0))

_init_call = pl.pallas_call(
    _init_body,
    grid=(GRID,),
    in_specs=[_rows(32), _full((32, H)), _full((1, H))],
    out_specs=_rows(H),
    out_shape=jax.ShapeDtypeStruct((N, H), jnp.float32),
)


def _mlp_call(last):
    return pl.pallas_call(
        functools.partial(_mlp_body, last=last),
        grid=(GRID,),
        in_specs=[_rows(H), _rows(H), _rows(H),
                  _full((H, H)), _full((1, H)), _full((H, H)), _full((1, H))],
        out_specs=_rows(H),
        out_shape=jax.ShapeDtypeStruct((N, H), jnp.float32),
    )


_readout_call = pl.pallas_call(
    _readout_body,
    grid=(GRID,),
    in_specs=[_rows(H), pl.BlockSpec((1, 1, ROW_BLK), lambda i: (i, 0, 0)),
              _full((H, H)), _full((1, H)), _full((H, H)), _full((1, H))],
    out_specs=_full((NUM_GRAPHS, H)),
    out_shape=jax.ShapeDtypeStruct((NUM_GRAPHS, H), jnp.float32),
    scratch_shapes=[pltpu.VMEM((NUM_GRAPHS, H), jnp.float32)],
)


def kernel(x, edge_index, batch, W_init, b_init, W0a, b0a, W0b, b0b,
           W1a, b1a, W1b, b1b, W2a, b2a, W2b, b2b, Wp1, bp1, Wp2, bp2):
    src = edge_index[0]
    dst = edge_index[1]
    x_pad = jnp.pad(x, ((0, 0), (0, 32 - F_IN)))
    w_pad = jnp.pad(W_init, ((0, 32 - F_IN), (0, 0)))

    h = _init_call(x_pad, w_pad, b_init.reshape(1, H))

    layers = [
        (W0a, b0a, W0b, b0b, False),
        (W1a, b1a, W1b, b1b, False),
        (W2a, b2a, W2b, b2b, True),
    ]
    for Wa, ba, Wb, bb, last in layers:
        a0, a1 = _sc_edge_aggr(h, src, dst)
        h = _mlp_call(last)(h, a0, a1, Wa, ba.reshape(1, H),
                            Wb, bb.reshape(1, H))

    batch3 = batch.reshape(GRID, 1, ROW_BLK)
    wp2_pad = jnp.pad(Wp2, ((0, 0), (0, H - 1)))
    bp2_pad = jnp.pad(bp2, ((0, H - 1)))
    out = _readout_call(h, batch3, Wp1, bp1.reshape(1, H),
                        wp2_pad, bp2_pad.reshape(1, H))
    return out[:, :1]

# --- scband reference (transcript-rebuilt; emitter-appended) ---
"""Pipeline reference for scband-naive-euclidean-gnn-85684597555470 (READ-ONLY COPY).

The authoritative reference and input builder live on the scoring server;
editing this copy changes nothing except your own understanding.
"""

import jax, jax.numpy as jnp
import numpy as np

N = 10000
E = 320000
F_IN = 30
H = 128
NUM_GRAPHS = 64


def _linear_params(key, fan_in, fan_out):
    kw, kb = jax.random.split(key)
    s = 1.0 / np.sqrt(fan_in)
    W = jax.random.uniform(kw, (fan_in, fan_out), minval=-s, maxval=s, dtype=jnp.float32)
    b = jax.random.uniform(kb, (fan_out,), minval=-s, maxval=s, dtype=jnp.float32)
    return W, b


def setup_inputs(seed: int = 0) -> dict:
    key = jax.random.key(seed)
    ks = jax.random.split(key, 16)
    inp = {}
    inp["x"] = jax.random.normal(ks[0], (N, F_IN), dtype=jnp.float32)
    inp["edge_index"] = jax.random.randint(ks[1], (2, E), 0, N, dtype=jnp.int32)
    inp["batch"] = jnp.sort(jax.random.randint(ks[2], (N,), 0, NUM_GRAPHS, dtype=jnp.int32))
    # learned params
    inp["W_init"], inp["b_init"] = _linear_params(ks[3], F_IN, H)
    inp["W0a"], inp["b0a"] = _linear_params(ks[4], H, H)
    inp["W0b"], inp["b0b"] = _linear_params(ks[5], H, H)
    inp["W1a"], inp["b1a"] = _linear_params(ks[6], H, H)
    inp["W1b"], inp["b1b"] = _linear_params(ks[7], H, H)
    inp["W2a"], inp["b2a"] = _linear_params(ks[8], H, H)
    inp["W2b"], inp["b2b"] = _linear_params(ks[9], H, H)
    inp["Wp1"], inp["bp1"] = _linear_params(ks[10], H, H)
    inp["Wp2"], inp["bp2"] = _linear_params(ks[11], H, 1)
    return inp


def _gin_conv(h, src, dst, Wa, ba, Wb, bb):
    # GINConv (eps=0): nn((1+eps)*x + sum_{j in N(i)} x_j); PyG MLP [in,H,H]: Linear-ReLU-Linear
    aggr = jax.ops.segment_sum(h[src], dst, num_segments=N)
    z = h + aggr
    z = z @ Wa + ba
    z = jax.nn.relu(z)
    z = z @ Wb + bb
    return z


def reference(x, edge_index, batch, W_init, b_init, W0a, b0a, W0b, b0b, W1a, b1a, W1b, b1b, W2a, b2a, W2b, b2b, Wp1, bp1, Wp2, bp2):
    src = edge_index[0]
    dst = edge_index[1]
    # f_initial_embed
    h = x @ W_init + b_init
    # GIN with num_layers=3; BasicGNN applies act after every conv except the last (jk=None)
    h = jax.nn.relu(_gin_conv(h, src, dst, W0a, b0a, W0b, b0b))
    h = jax.nn.relu(_gin_conv(h, src, dst, W1a, b1a, W1b, b1b))
    h = _gin_conv(h, src, dst, W2a, b2a, W2b, b2b)
    # SumAggregation over batch (graph readout)
    g = jax.ops.segment_sum(h, batch, num_segments=NUM_GRAPHS)
    # f_predict: Linear -> ReLU -> Linear(->1)
    out = jax.nn.relu(g @ Wp1 + bp1) @ Wp2 + bp2
    return out

if __name__ == "__main__":
    import jax
    _d = setup_inputs()
    print(jax.jit(kernel)(*tuple(_d.values())))

</pallas_src>

<mosaic_0001>
#map = affine_map<(d0, d1) -> (0, 0)>
#map1 = affine_map<(d0, d1) -> (0)>
module attributes {stable_mosaic.version = 14 : i64} {
  func.func @_sc_edge_aggr(%arg0: i32, %arg1: i32, %arg2: memref<10000x128xf32, #tpu.memory_space<hbm>>, %arg3: memref<320000xi32, #tpu.memory_space<hbm>>, %arg4: memref<320000xi32, #tpu.memory_space<hbm>>, %arg5: memref<10000x128xf32, #tpu.memory_space<hbm>>, %arg6: memref<10000x128xf32, #tpu.memory_space<hbm>>, %arg7: memref<10000x128xf32, #tpu.memory_space<vmem_shared>>, %arg8: memref<80xi32, #tpu.memory_space<vmem>>, %arg9: memref<80xi32, #tpu.memory_space<vmem>>, %arg10: memref<80x128xf32, #tpu.memory_space<vmem>>, %arg11: memref<25x128xf32, #tpu.memory_space<vmem>>, %arg12: memref<!tpu.dma_semaphore, #tpu.memory_space<semaphore_mem>>) attributes {dimension_semantics = [#tpu.dimension_semantics<core_parallel>, #tpu.dimension_semantics<subcore_parallel>], iteration_bounds = array<i64: 2, 16>, scalar_prefetch = 0 : i64, scratch_operands = 6 : i64, tpu.core_type = #tpu.core_type<sc_vector_subcore>, window_params = [{transform_indices = #map}, {transform_indices = #map1}, {transform_indices = #map1}, {transform_indices = #map}, {transform_indices = #map}]} {
    %mul3A = arith.constant 2 : i32
    %mul3A_0 = arith.muli %arg1, %mul3A : i32
    %add3A = arith.addi %mul3A_0, %arg0 : i32
    %broadcast_in_dim3A = arith.constant 0.000000e+00 : f32
    %broadcast_in_dim3A_1 = vector.broadcast %broadcast_in_dim3A : f32 to vector<16xf32>
    %scan3A = arith.constant 0 : i32
    %scan3A_2 = arith.constant 0 : i32
    %scan3A_3 = arith.constant 25 : i32
    %scan3A_4 = arith.addi %scan3A_2, %scan3A_3 : i32
    %scan3A_5 = arith.constant 1 : i32
    scf.for %scan3A_31 = %scan3A_2 to %scan3A_4 step %scan3A_5  : i32 {
      %swap3A = arith.index_cast %scan3A_31 : i32 to index
      %swap3A_32 = arith.constant 0 : index
      %swap3A_33 = tpu.vector_load %arg11[%swap3A, %swap3A_32] {strides = array<i32>} : memref<25x128xf32, #tpu.memory_space<vmem>>, vector<1x16xf32>,
      %swap3A_34 = vector.shape_cast %swap3A_33 : vector<1x16xf32> to vector<16xf32>
      %swap3A_35 = vector.shape_cast %broadcast_in_dim3A_1 : vector<16xf32> to vector<1x16xf32>
      tpu.vector_store %arg11[%swap3A, %swap3A_32], %swap3A_35 {strides = array<i32>} : memref<25x128xf32, #tpu.memory_space<vmem>>, vector<1x16xf32>,
      %swap3A_36 = arith.index_cast %scan3A_31 : i32 to index
      %swap3A_37 = arith.constant 16 : index
      %swap3A_38 = tpu.vector_load %arg11[%swap3A_36, %swap3A_37] {strides = array<i32>} : memref<25x128xf32, #tpu.memory_space<vmem>>, vector<1x16xf32>,
      %swap3A_39 = vector.shape_cast %swap3A_38 : vector<1x16xf32> to vector<16xf32>
      %swap3A_40 = vector.shape_cast %broadcast_in_dim3A_1 : vector<16xf32> to vector<1x16xf32>
      tpu.vector_store %arg11[%swap3A_36, %swap3A_37], %swap3A_40 {strides = array<i32>} : memref<25x128xf32, #tpu.memory_space<vmem>>, vector<1x16xf32>,
      %swap3A_41 = arith.index_cast %scan3A_31 : i32 to index
      %swap3A_42 = arith.constant 32 : index
      %swap3A_43 = tpu.vector_load %arg11[%swap3A_41, %swap3A_42] {strides = array<i32>} : memref<25x128xf32, #tpu.memory_space<vmem>>, vector<1x16xf32>,
      %swap3A_44 = vector.shape_cast %swap3A_43 : vector<1x16xf32> to vector<16xf32>
      %swap3A_45 = vector.shape_cast %broadcast_in_dim3A_1 : vector<16xf32> to vector<1x16xf32>
      tpu.vector_store %arg11[%swap3A_41, %swap3A_42], %swap3A_45 {strides = array<i32>} : memref<25x128xf32, #tpu.memory_space<vmem>>, vector<1x16xf32>,
      %swap3A_46 = arith.index_cast %scan3A_31 : i32 to index
      %swap3A_47 = arith.constant 48 : index
      %swap3A_48 = tpu.vector_load %arg11[%swap3A_46, %swap3A_47] {strides = array<i32>} : memref<25x128xf32, #tpu.memory_space<vmem>>, vector<1x16xf32>,
      %swap3A_49 = vector.shape_cast %swap3A_48 : vector<1x16xf32> to vector<16xf32>
      %swap3A_50 = vector.shape_cast %broadcast_in_dim3A_1 : vector<16xf32> to vector<1x16xf32>
      tpu.vector_store %arg11[%swap3A_46, %swap3A_47], %swap3A_50 {strides = array<i32>} : memref<25x128xf32, #tpu.memory_space<vmem>>, vector<1x16xf32>,
      %swap3A_51 = arith.index_cast %scan3A_31 : i32 to index
      %swap3A_52 = arith.constant 64 : index
      %swap3A_53 = tpu.vector_load %arg11[%swap3A_51, %swap3A_52] {strides = array<i32>} : memref<25x128xf32, #tpu.memory_space<vmem>>, vector<1x16xf32>,
      %swap3A_54 = vector.shape_cast %swap3A_53 : vector<1x16xf32> to vector<16xf32>
      %swap3A_55 = vector.shape_cast %broadcast_in_dim3A_1 : vector<16xf32> to vector<1x16xf32>
      tpu.vector_store %arg11[%swap3A_51, %swap3A_52], %swap3A_55 {strides = array<i32>} : memref<25x128xf32, #tpu.memory_space<vmem>>, vector<1x16xf32>,
      %swap3A_56 = arith.index_cast %scan3A_31 : i32 to index
      %swap3A_57 = arith.constant 80 : index
      %swap3A_58 = tpu.vector_load %arg11[%swap3A_56, %swap3A_57] {strides = array<i32>} : memref<25x128xf32, #tpu.memory_space<vmem>>, vector<1x16xf32>,
      %swap3A_59 = vector.shape_cast %swap3A_58 : vector<1x16xf32> to vector<16xf32>
      %swap3A_60 = vector.shape_cast %broadcast_in_dim3A_1 : vector<16xf32> to vector<1x16xf32>
      tpu.vector_store %arg11[%swap3A_56, %swap3A_57], %swap3A_60 {strides = array<i32>} : memref<25x128xf32, #tpu.memory_space<vmem>>, vector<1x16xf32>,
      %swap3A_61 = arith.index_cast %scan3A_31 : i32 to index
      %swap3A_62 = arith.constant 96 : index
      %swap3A_63 = tpu.vector_load %arg11[%swap3A_61, %swap3A_62] {strides = array<i32>} : memref<25x128xf32, #tpu.memory_space<vmem>>, vector<1x16xf32>,
      %swap3A_64 = vector.shape_cast %swap3A_63 : vector<1x16xf32> to vector<16xf32>
      %swap3A_65 = vector.shape_cast %broadcast_in_dim3A_1 : vector<16xf32> to vector<1x16xf32>
      tpu.vector_store %arg11[%swap3A_61, %swap3A_62], %swap3A_65 {strides = array<i32>} : memref<25x128xf32, #tpu.memory_space<vmem>>, vector<1x16xf32>,
      %swap3A_66 = arith.index_cast %scan3A_31 : i32 to index
      %swap3A_67 = arith.constant 112 : index
      %swap3A_68 = tpu.vector_load %arg11[%swap3A_66, %swap3A_67] {strides = array<i32>} : memref<25x128xf32, #tpu.memory_space<vmem>>, vector<1x16xf32>,
      %swap3A_69 = vector.shape_cast %swap3A_68 : vector<1x16xf32> to vector<16xf32>
      %swap3A_70 = vector.shape_cast %broadcast_in_dim3A_1 : vector<16xf32> to vector<1x16xf32>
      tpu.vector_store %arg11[%swap3A_66, %swap3A_67], %swap3A_70 {strides = array<i32>} : memref<25x128xf32, #tpu.memory_space<vmem>>, vector<1x16xf32>,
    }
    %scan3A_6 = arith.constant 25 : i32
    %scan3A_7 = arith.constant 0 : i32
    %scan3A_8 = arith.constant 0 : i32
    %scan3A_9 = arith.constant 25 : i32
    %scan3A_10 = arith.addi %scan3A_8, %scan3A_9 : i32
    %scan3A_11 = arith.constant 1 : i32
    scf.for %scan3A_31 = %scan3A_8 to %scan3A_10 step %scan3A_11  : i32 {
      %mul3A_32 = arith.constant 625 : i32
      %mul3A_33 = arith.muli %arg1, %mul3A_32 : i32
      %mul3A_34 = arith.constant 25 : i32
      %mul3A_35 = arith.muli %scan3A_31, %mul3A_34 : i32
      %add3A_36 = arith.addi %mul3A_33, %mul3A_35 : i32
      "tpu.region"() ({
        %run_scoped3A = tpu.sem_alloc : memref<!tpu.dma_semaphore, #tpu.memory_space<semaphore_mem>>
        %dma_start3A = arith.constant 0 : i32
        %dma_start3A_37 = tpu.memref_slice %arg7[%add3A_36, %dma_start3A] : memref<10000x128xf32, #tpu.memory_space<vmem_shared>> -> memref<25x128xf32, #tpu.memory_space<vmem_shared>>
        %dma_start3A_38 = arith.constant 0 : i32
        %dma_start3A_39 = tpu.memref_slice %arg7[%add3A_36, %dma_start3A_38] : memref<10000x128xf32, #tpu.memory_space<vmem_shared>> -> memref<25x128xf32, #tpu.memory_space<vmem_shared>>
        tpu.enqueue_dma source(%arg11 : memref<25x128xf32, #tpu.memory_space<vmem>>) target(%dma_start3A_39 : memref<25x128xf32, #tpu.memory_space<vmem_shared>>) target_semaphore(%run_scoped3A : memref<!tpu.dma_semaphore, #tpu.memory_space<semaphore_mem>>)
        %dma_wait3A = arith.constant 0 : i32
        %dma_wait3A_40 = tpu.memref_slice %arg7[%add3A_36, %dma_wait3A] : memref<10000x128xf32, #tpu.memory_space<vmem_shared>> -> memref<25x128xf32, #tpu.memory_space<vmem_shared>>
        %dma_wait3A_41 = arith.constant 0 : i32
        %dma_wait3A_42 = tpu.memref_slice %arg7[%add3A_36, %dma_wait3A_41] : memref<10000x128xf32, #tpu.memory_space<vmem_shared>> -> memref<25x128xf32, #tpu.memory_space<vmem_shared>>
        tpu.wait_dma2 semaphore(%run_scoped3A : memref<!tpu.dma_semaphore, #tpu.memory_space<semaphore_mem>>) src(%arg11 : memref<25x128xf32, #tpu.memory_space<vmem>>) dst(%dma_wait3A_42 : memref<25x128xf32, #tpu.memory_space<vmem_shared>>)
        tpu.yield
      }) : () -> ()
    }
    %scan3A_12 = arith.constant 25 : i32
    %barrier3A = arith.constant 0 : index
    tpu.barrier barrier_id(%barrier3A)
    %mul3A_13 = arith.constant 10000 : i32
    %mul3A_14 = arith.muli %add3A, %mul3A_13 : i32
    %scan3A_15 = arith.constant 0 : i32
    %scan3A_16 = arith.constant 0 : i32
    %scan3A_17 = arith.constant 125 : i32
    %scan3A_18 = arith.addi %scan3A_16, %scan3A_17 : i32
    %scan3A_19 = arith.constant 1 : i32
    scf.for %scan3A_31 = %scan3A_16 to %scan3A_18 step %scan3A_19  : i32 {
      %mul3A_32 = arith.constant 80 : i32
      %mul3A_33 = arith.muli %scan3A_31, %mul3A_32 : i32
      %add3A_34 = arith.addi %mul3A_14, %mul3A_33 : i32
      "tpu.region"() ({
        %run_scoped3A = tpu.sem_alloc : memref<!tpu.dma_semaphore, #tpu.memory_space<semaphore_mem>>
        %dma_start3A_39 = tpu.memref_slice %arg3[%add3A_34] : memref<320000xi32, #tpu.memory_space<hbm>> -> memref<80xi32, #tpu.memory_space<hbm>>
        %dma_start3A_40 = tpu.memref_slice %arg3[%add3A_34] : memref<320000xi32, #tpu.memory_space<hbm>> -> memref<80xi32, #tpu.memory_space<hbm>>
        tpu.enqueue_dma source(%dma_start3A_40 : memref<80xi32, #tpu.memory_space<hbm>>) target(%arg8 : memref<80xi32, #tpu.memory_space<vmem>>) target_semaphore(%run_scoped3A : memref<!tpu.dma_semaphore, #tpu.memory_space<semaphore_mem>>)
        %dma_wait3A_41 = tpu.memref_slice %arg3[%add3A_34] : memref<320000xi32, #tpu.memory_space<hbm>> -> memref<80xi32, #tpu.memory_space<hbm>>
        %dma_wait3A_42 = tpu.memref_slice %arg3[%add3A_34] : memref<320000xi32, #tpu.memory_space<hbm>> -> memref<80xi32, #tpu.memory_space<hbm>>
        tpu.wait_dma2 semaphore(%run_scoped3A : memref<!tpu.dma_semaphore, #tpu.memory_space<semaphore_mem>>) src(%dma_wait3A_42 : memref<80xi32, #tpu.memory_space<hbm>>) dst(%arg8 : memref<80xi32, #tpu.memory_space<vmem>>)
        tpu.yield
      }) : () -> ()
      "tpu.region"() ({
        %run_scoped3A = tpu.sem_alloc : memref<!tpu.dma_semaphore, #tpu.memory_space<semaphore_mem>>
        %dma_start3A_39 = tpu.memref_slice %arg4[%add3A_34] : memref<320000xi32, #tpu.memory_space<hbm>> -> memref<80xi32, #tpu.memory_space<hbm>>
        %dma_start3A_40 = tpu.memref_slice %arg4[%add3A_34] : memref<320000xi32, #tpu.memory_space<hbm>> -> memref<80xi32, #tpu.memory_space<hbm>>
        tpu.enqueue_dma source(%dma_start3A_40 : memref<80xi32, #tpu.memory_space<hbm>>) target(%arg9 : memref<80xi32, #tpu.memory_space<vmem>>) target_semaphore(%run_scoped3A : memref<!tpu.dma_semaphore, #tpu.memory_space<semaphore_mem>>)
        %dma_wait3A_41 = tpu.memref_slice %arg4[%add3A_34] : memref<320000xi32, #tpu.memory_space<hbm>> -> memref<80xi32, #tpu.memory_space<hbm>>
        %dma_wait3A_42 = tpu.memref_slice %arg4[%add3A_34] : memref<320000xi32, #tpu.memory_space<hbm>> -> memref<80xi32, #tpu.memory_space<hbm>>
        tpu.wait_dma2 semaphore(%run_scoped3A : memref<!tpu.dma_semaphore, #tpu.memory_space<semaphore_mem>>) src(%dma_wait3A_42 : memref<80xi32, #tpu.memory_space<hbm>>) dst(%arg9 : memref<80xi32, #tpu.memory_space<vmem>>)
        tpu.yield
      }) : () -> ()
      %dma_start3A = arith.constant 0 : i32
      %dma_start3A_35 = arith.constant 0 : i32
      %dma_start3A_36 = tpu.memref_slice %arg2[%dma_start3A, %dma_start3A_35] : memref<10000x128xf32, #tpu.memory_space<hbm>> -> memref<10000x128xf32, #tpu.memory_space<hbm>>
      tpu.enqueue_indirect_dma source(%dma_start3A_36 : memref<10000x128xf32, #tpu.memory_space<hbm>>) target(%arg10 : memref<80x128xf32, #tpu.memory_space<vmem>>) offsets(%arg8 : memref<80xi32, #tpu.memory_space<vmem>>) semaphore(%arg12 : memref<!tpu.dma_semaphore, #tpu.memory_space<semaphore_mem>>)
      %dma_wait3A = arith.constant 0 : i32
      %dma_wait3A_37 = arith.constant 0 : i32
      %dma_wait3A_38 = tpu.memref_slice %arg2[%dma_wait3A, %dma_wait3A_37] : memref<10000x128xf32, #tpu.memory_space<hbm>> -> memref<10000x128xf32, #tpu.memory_space<hbm>>
      tpu.wait_indirect_dma semaphore(%arg12 : memref<!tpu.dma_semaphore, #tpu.memory_space<semaphore_mem>>) src(%dma_wait3A_38 : memref<10000x128xf32, #tpu.memory_space<hbm>>) dst(%arg10 : memref<80x128xf32, #tpu.memory_space<vmem>>)
      "tpu.region"() ({
        %run_scoped3A = tpu.sem_alloc : memref<!tpu.dma_semaphore, #tpu.memory_space<semaphore_mem>>
        %dma_start3A_39 = arith.constant 0 : i32
        %dma_start3A_40 = arith.constant 0 : i32
        %dma_start3A_41 = tpu.memref_slice %arg7[%dma_start3A_39, %dma_start3A_40] : memref<10000x128xf32, #tpu.memory_space<vmem_shared>> -> memref<10000x128xf32, #tpu.memory_space<vmem_shared>>
        tpu.enqueue_indirect_dma source(%arg10 : memref<80x128xf32, #tpu.memory_space<vmem>>) target(%dma_start3A_41 : memref<10000x128xf32, #tpu.memory_space<vmem_shared>>) offsets(%arg9 : memref<80xi32, #tpu.memory_space<vmem>>) semaphore(%run_scoped3A : memref<!tpu.dma_semaphore, #tpu.memory_space<semaphore_mem>>) {add = true}
        %dma_wait3A_42 = arith.constant 0 : i32
        %dma_wait3A_43 = arith.constant 0 : i32
        %dma_wait3A_44 = tpu.memref_slice %arg7[%dma_wait3A_42, %dma_wait3A_43] : memref<10000x128xf32, #tpu.memory_space<vmem_shared>> -> memref<10000x128xf32, #tpu.memory_space<vmem_shared>>
        tpu.wait_indirect_dma semaphore(%run_scoped3A : memref<!tpu.dma_semaphore, #tpu.memory_space<semaphore_mem>>) src(%arg10 : memref<80x128xf32, #tpu.memory_space<vmem>>) dst(%dma_wait3A_44 : memref<10000x128xf32, #tpu.memory_space<vmem_shared>>)
        tpu.yield
      }) : () -> ()
    }
    %scan3A_20 = arith.constant 125 : i32
    %barrier3A_21 = arith.constant 0 : index
    tpu.barrier barrier_id(%barrier3A_21)
    %mul3A_22 = arith.constant 624 : i32
    %mul3A_23 = arith.muli %arg1, %mul3A_22 : i32
    %eq3A = arith.constant 0 : i32
    %eq3A_24 = arith.cmpi eq, %arg0, %eq3A : i32
    %convert_element_type3A = arith.extui %eq3A_24 : i1 to i32
    %cond3A = arith.constant 0 : i32
    %cond3A_25 = arith.cmpi ne, %convert_element_type3A, %cond3A : i32
    scf.if %cond3A_25 {
      "tpu.region"() ({
        %run_scoped3A = tpu.sem_alloc : memref<!tpu.dma_semaphore, #tpu.memory_space<semaphore_mem>>
        %dma_start3A = arith.constant 0 : i32
        %dma_start3A_36 = tpu.memref_slice %arg5[%mul3A_23, %dma_start3A] : memref<10000x128xf32, #tpu.memory_space<hbm>> -> memref<624x128xf32, #tpu.memory_space<hbm>>
        %dma_start3A_37 = arith.constant 0 : i32
        %dma_start3A_38 = tpu.memref_slice %arg7[%mul3A_23, %dma_start3A_37] : memref<10000x128xf32, #tpu.memory_space<vmem_shared>> -> memref<624x128xf32, #tpu.memory_space<vmem_shared>>
        tpu.enqueue_dma source(%dma_start3A_38 : memref<624x128xf32, #tpu.memory_space<vmem_shared>>) target(%dma_start3A_36 : memref<624x128xf32, #tpu.memory_space<hbm>>) target_semaphore(%run_scoped3A : memref<!tpu.dma_semaphore, #tpu.memory_space<semaphore_mem>>)
        %dma_wait3A = arith.constant 0 : i32
        %dma_wait3A_39 = tpu.memref_slice %arg5[%mul3A_23, %dma_wait3A] : memref<10000x128xf32, #tpu.memory_space<hbm>> -> memref<624x128xf32, #tpu.memory_space<hbm>>
        %dma_wait3A_40 = arith.constant 0 : i32
        %dma_wait3A_41 = tpu.memref_slice %arg7[%mul3A_23, %dma_wait3A_40] : memref<10000x128xf32, #tpu.memory_space<vmem_shared>> -> memref<624x128xf32, #tpu.memory_space<vmem_shared>>
        tpu.wait_dma2 semaphore(%run_scoped3A : memref<!tpu.dma_semaphore, #tpu.memory_space<semaphore_mem>>) src(%dma_wait3A_41 : memref<624x128xf32, #tpu.memory_space<vmem_shared>>) dst(%dma_wait3A_39 : memref<624x128xf32, #tpu.memory_space<hbm>>)
        tpu.yield
      }) : () -> ()
      %eq3A_31 = arith.constant 15 : i32
      %eq3A_32 = arith.cmpi eq, %arg1, %eq3A_31 : i32
      %convert_element_type3A_33 = arith.extui %eq3A_32 : i1 to i32
      %cond3A_34 = arith.constant 0 : i32
      %cond3A_35 = arith.cmpi ne, %convert_element_type3A_33, %cond3A_34 : i32
      scf.if %cond3A_35 {
        "tpu.region"() ({
          %run_scoped3A = tpu.sem_alloc : memref<!tpu.dma_semaphore, #tpu.memory_space<semaphore_mem>>
          %dma_start3A = arith.constant 9984 : i32
          %dma_start3A_36 = arith.constant 0 : i32
          %dma_start3A_37 = tpu.memref_slice %arg5[%dma_start3A, %dma_start3A_36] : memref<10000x128xf32, #tpu.memory_space<hbm>> -> memref<16x128xf32, #tpu.memory_space<hbm>>
          %dma_start3A_38 = arith.constant 9984 : i32
          %dma_start3A_39 = arith.constant 0 : i32
          %dma_start3A_40 = tpu.memref_slice %arg7[%dma_start3A_38, %dma_start3A_39] : memref<10000x128xf32, #tpu.memory_space<vmem_shared>> -> memref<16x128xf32, #tpu.memory_space<vmem_shared>>
          tpu.enqueue_dma source(%dma_start3A_40 : memref<16x128xf32, #tpu.memory_space<vmem_shared>>) target(%dma_start3A_37 : memref<16x128xf32, #tpu.memory_space<hbm>>) target_semaphore(%run_scoped3A : memref<!tpu.dma_semaphore, #tpu.memory_space<semaphore_mem>>)
          %dma_wait3A = arith.constant 9984 : i32
          %dma_wait3A_41 = arith.constant 0 : i32
          %dma_wait3A_42 = tpu.memref_slice %arg5[%dma_wait3A, %dma_wait3A_41] : memref<10000x128xf32, #tpu.memory_space<hbm>> -> memref<16x128xf32, #tpu.memory_space<hbm>>
          %dma_wait3A_43 = arith.constant 9984 : i32
          %dma_wait3A_44 = arith.constant 0 : i32
          %dma_wait3A_45 = tpu.memref_slice %arg7[%dma_wait3A_43, %dma_wait3A_44] : memref<10000x128xf32, #tpu.memory_space<vmem_shared>> -> memref<16x128xf32, #tpu.memory_space<vmem_shared>>
          tpu.wait_dma2 semaphore(%run_scoped3A : memref<!tpu.dma_semaphore, #tpu.memory_space<semaphore_mem>>) src(%dma_wait3A_45 : memref<16x128xf32, #tpu.memory_space<vmem_shared>>) dst(%dma_wait3A_42 : memref<16x128xf32, #tpu.memory_space<hbm>>)
          tpu.yield
        }) : () -> ()
      } else {
      }
    } else {
    }
    %eq3A_26 = arith.constant 1 : i32
    %eq3A_27 = arith.cmpi eq, %arg0, %eq3A_26 : i32
    %convert_element_type3A_28 = arith.extui %eq3A_27 : i1 to i32
    %cond3A_29 = arith.constant 0 : i32
    %cond3A_30 = arith.cmpi ne, %convert_element_type3A_28, %cond3A_29 : i32
    scf.if %cond3A_30 {
      "tpu.region"() ({
        %run_scoped3A = tpu.sem_alloc : memref<!tpu.dma_semaphore, #tpu.memory_space<semaphore_mem>>
        %dma_start3A = arith.constant 0 : i32
        %dma_start3A_36 = tpu.memref_slice %arg6[%mul3A_23, %dma_start3A] : memref<10000x128xf32, #tpu.memory_space<hbm>> -> memref<624x128xf32, #tpu.memory_space<hbm>>
        %dma_start3A_37 = arith.constant 0 : i32
        %dma_start3A_38 = tpu.memref_slice %arg7[%mul3A_23, %dma_start3A_37] : memref<10000x128xf32, #tpu.memory_space<vmem_shared>> -> memref<624x128xf32, #tpu.memory_space<vmem_shared>>
        tpu.enqueue_dma source(%dma_start3A_38 : memref<624x128xf32, #tpu.memory_space<vmem_shared>>) target(%dma_start3A_36 : memref<624x128xf32, #tpu.memory_space<hbm>>) target_semaphore(%run_scoped3A : memref<!tpu.dma_semaphore, #tpu.memory_space<semaphore_mem>>)
        %dma_wait3A = arith.constant 0 : i32
        %dma_wait3A_39 = tpu.memref_slice %arg6[%mul3A_23, %dma_wait3A] : memref<10000x128xf32, #tpu.memory_space<hbm>> -> memref<624x128xf32, #tpu.memory_space<hbm>>
        %dma_wait3A_40 = arith.constant 0 : i32
        %dma_wait3A_41 = tpu.memref_slice %arg7[%mul3A_23, %dma_wait3A_40] : memref<10000x128xf32, #tpu.memory_space<vmem_shared>> -> memref<624x128xf32, #tpu.memory_space<vmem_shared>>
        tpu.wait_dma2 semaphore(%run_scoped3A : memref<!tpu.dma_semaphore, #tpu.memory_space<semaphore_mem>>) src(%dma_wait3A_41 : memref<624x128xf32, #tpu.memory_space<vmem_shared>>) dst(%dma_wait3A_39 : memref<624x128xf32, #tpu.memory_space<hbm>>)
        tpu.yield
      }) : () -> ()
      %eq3A_31 = arith.constant 15 : i32
      %eq3A_32 = arith.cmpi eq, %arg1, %eq3A_31 : i32
      %convert_element_type3A_33 = arith.extui %eq3A_32 : i1 to i32
      %cond3A_34 = arith.constant 0 : i32
      %cond3A_35 = arith.cmpi ne, %convert_element_type3A_33, %cond3A_34 : i32
      scf.if %cond3A_35 {
        "tpu.region"() ({
          %run_scoped3A = tpu.sem_alloc : memref<!tpu.dma_semaphore, #tpu.memory_space<semaphore_mem>>
          %dma_start3A = arith.constant 9984 : i32
          %dma_start3A_36 = arith.constant 0 : i32
          %dma_start3A_37 = tpu.memref_slice %arg6[%dma_start3A, %dma_start3A_36] : memref<10000x128xf32, #tpu.memory_space<hbm>> -> memref<16x128xf32, #tpu.memory_space<hbm>>
          %dma_start3A_38 = arith.constant 9984 : i32
          %dma_start3A_39 = arith.constant 0 : i32
          %dma_start3A_40 = tpu.memref_slice %arg7[%dma_start3A_38, %dma_start3A_39] : memref<10000x128xf32, #tpu.memory_space<vmem_shared>> -> memref<16x128xf32, #tpu.memory_space<vmem_shared>>
          tpu.enqueue_dma source(%dma_start3A_40 : memref<16x128xf32, #tpu.memory_space<vmem_shared>>) target(%dma_start3A_37 : memref<16x128xf32, #tpu.memory_space<hbm>>) target_semaphore(%run_scoped3A : memref<!tpu.dma_semaphore, #tpu.memory_space<semaphore_mem>>)
          %dma_wait3A = arith.constant 9984 : i32
          %dma_wait3A_41 = arith.constant 0 : i32
          %dma_wait3A_42 = tpu.memref_slice %arg6[%dma_wait3A, %dma_wait3A_41] : memref<10000x128xf32, #tpu.memory_space<hbm>> -> memref<16x128xf32, #tpu.memory_space<hbm>>
          %dma_wait3A_43 = arith.constant 9984 : i32
          %dma_wait3A_44 = arith.constant 0 : i32
          %dma_wait3A_45 = tpu.memref_slice %arg7[%dma_wait3A_43, %dma_wait3A_44] : memref<10000x128xf32, #tpu.memory_space<vmem_shared>> -> memref<16x128xf32, #tpu.memory_space<vmem_shared>>
          tpu.wait_dma2 semaphore(%run_scoped3A : memref<!tpu.dma_semaphore, #tpu.memory_space<semaphore_mem>>) src(%dma_wait3A_45 : memref<16x128xf32, #tpu.memory_space<vmem_shared>>) dst(%dma_wait3A_42 : memref<16x128xf32, #tpu.memory_space<hbm>>)
          tpu.yield
        }) : () -> ()
      } else {
      }
    } else {
    }
    return
  }
}

#map = affine_map<(d0, d1) -> (0, 0)>
#map1 = affine_map<(d0, d1) -> (0)>
module attributes {stable_mosaic.version = 14 : i64} {
  func.func @_sc_edge_aggr(%arg0: i32, %arg1: i32, %arg2: memref<10000x128xf32, #tpu.memory_space<hbm>>, %arg3: memref<320000xi32, #tpu.memory_space<hbm>>, %arg4: memref<320000xi32, #tpu.memory_space<hbm>>, %arg5: memref<10000x128xf32, #tpu.memory_space<hbm>>, %arg6: memref<10000x128xf32, #tpu.memory_space<hbm>>, %arg7: memref<10000x128xf32, #tpu.memory_space<vmem_shared>>, %arg8: memref<80xi32, #tpu.memory_space<vmem>>, %arg9: memref<80xi32, #tpu.memory_space<vmem>>, %arg10: memref<80x128xf32, #tpu.memory_space<vmem>>, %arg11: memref<25x128xf32, #tpu.memory_space<vmem>>, %arg12: memref<!tpu.dma_semaphore, #tpu.memory_space<semaphore_mem>>) attributes {dimension_semantics = [#tpu.dimension_semantics<core_parallel>, #tpu.dimension_semantics<subcore_parallel>], iteration_bounds = array<i64: 2, 16>, scalar_prefetch = 0 : i64, scratch_operands = 6 : i64, tpu.core_type = #tpu.core_type<sc_vector_subcore>, window_params = [{transform_indices = #map}, {transform_indices = #map1}, {transform_indices = #map1}, {transform_indices = #map}, {transform_indices = #map}]} {
    %mul3A = arith.constant 2 : i32
    %mul3A_0 = arith.muli %arg1, %mul3A : i32
    %add3A = arith.addi %mul3A_0, %arg0 : i32
    %broadcast_in_dim3A = arith.constant 0.000000e+00 : f32
    %broadcast_in_dim3A_1 = vector.broadcast %broadcast_in_dim3A : f32 to vector<16xf32>
    %scan3A = arith.constant 0 : i32
    %scan3A_2 = arith.constant 0 : i32
    %scan3A_3 = arith.constant 25 : i32
    %scan3A_4 = arith.addi %scan3A_2, %scan3A_3 : i32
    %scan3A_5 = arith.constant 1 : i32
    scf.for %scan3A_31 = %scan3A_2 to %scan3A_4 step %scan3A_5  : i32 {
      %swap3A = arith.index_cast %scan3A_31 : i32 to index
      %swap3A_32 = arith.constant 0 : index
      %swap3A_33 = tpu.vector_load %arg11[%swap3A, %swap3A_32] {strides = array<i32>} : memref<25x128xf32, #tpu.memory_space<vmem>>, vector<1x16xf32>,
      %swap3A_34 = vector.shape_cast %swap3A_33 : vector<1x16xf32> to vector<16xf32>
      %swap3A_35 = vector.shape_cast %broadcast_in_dim3A_1 : vector<16xf32> to vector<1x16xf32>
      tpu.vector_store %arg11[%swap3A, %swap3A_32], %swap3A_35 {strides = array<i32>} : memref<25x128xf32, #tpu.memory_space<vmem>>, vector<1x16xf32>,
      %swap3A_36 = arith.index_cast %scan3A_31 : i32 to index
      %swap3A_37 = arith.constant 16 : index
      %swap3A_38 = tpu.vector_load %arg11[%swap3A_36, %swap3A_37] {strides = array<i32>} : memref<25x128xf32, #tpu.memory_space<vmem>>, vector<1x16xf32>,
      %swap3A_39 = vector.shape_cast %swap3A_38 : vector<1x16xf32> to vector<16xf32>
      %swap3A_40 = vector.shape_cast %broadcast_in_dim3A_1 : vector<16xf32> to vector<1x16xf32>
      tpu.vector_store %arg11[%swap3A_36, %swap3A_37], %swap3A_40 {strides = array<i32>} : memref<25x128xf32, #tpu.memory_space<vmem>>, vector<1x16xf32>,
      %swap3A_41 = arith.index_cast %scan3A_31 : i32 to index
      %swap3A_42 = arith.constant 32 : index
      %swap3A_43 = tpu.vector_load %arg11[%swap3A_41, %swap3A_42] {strides = array<i32>} : memref<25x128xf32, #tpu.memory_space<vmem>>, vector<1x16xf32>,
      %swap3A_44 = vector.shape_cast %swap3A_43 : vector<1x16xf32> to vector<16xf32>
      %swap3A_45 = vector.shape_cast %broadcast_in_dim3A_1 : vector<16xf32> to vector<1x16xf32>
      tpu.vector_store %arg11[%swap3A_41, %swap3A_42], %swap3A_45 {strides = array<i32>} : memref<25x128xf32, #tpu.memory_space<vmem>>, vector<1x16xf32>,
      %swap3A_46 = arith.index_cast %scan3A_31 : i32 to index
      %swap3A_47 = arith.constant 48 : index
      %swap3A_48 = tpu.vector_load %arg11[%swap3A_46, %swap3A_47] {strides = array<i32>} : memref<25x128xf32, #tpu.memory_space<vmem>>, vector<1x16xf32>,
      %swap3A_49 = vector.shape_cast %swap3A_48 : vector<1x16xf32> to vector<16xf32>
      %swap3A_50 = vector.shape_cast %broadcast_in_dim3A_1 : vector<16xf32> to vector<1x16xf32>
      tpu.vector_store %arg11[%swap3A_46, %swap3A_47], %swap3A_50 {strides = array<i32>} : memref<25x128xf32, #tpu.memory_space<vmem>>, vector<1x16xf32>,
      %swap3A_51 = arith.index_cast %scan3A_31 : i32 to index
      %swap3A_52 = arith.constant 64 : index
      %swap3A_53 = tpu.vector_load %arg11[%swap3A_51, %swap3A_52] {strides = array<i32>} : memref<25x128xf32, #tpu.memory_space<vmem>>, vector<1x16xf32>,
      %swap3A_54 = vector.shape_cast %swap3A_53 : vector<1x16xf32> to vector<16xf32>
      %swap3A_55 = vector.shape_cast %broadcast_in_dim3A_1 : vector<16xf32> to vector<1x16xf32>
      tpu.vector_store %arg11[%swap3A_51, %swap3A_52], %swap3A_55 {strides = array<i32>} : memref<25x128xf32, #tpu.memory_space<vmem>>, vector<1x16xf32>,
      %swap3A_56 = arith.index_cast %scan3A_31 : i32 to index
      %swap3A_57 = arith.constant 80 : index
      %swap3A_58 = tpu.vector_load %arg11[%swap3A_56, %swap3A_57] {strides = array<i32>} : memref<25x128xf32, #tpu.memory_space<vmem>>, vector<1x16xf32>,
      %swap3A_59 = vector.shape_cast %swap3A_58 : vector<1x16xf32> to vector<16xf32>
      %swap3A_60 = vector.shape_cast %broadcast_in_dim3A_1 : vector<16xf32> to vector<1x16xf32>
      tpu.vector_store %arg11[%swap3A_56, %swap3A_57], %swap3A_60 {strides = array<i32>} : memref<25x128xf32, #tpu.memory_space<vmem>>, vector<1x16xf32>,
      %swap3A_61 = arith.index_cast %scan3A_31 : i32 to index
      %swap3A_62 = arith.constant 96 : index
      %swap3A_63 = tpu.vector_load %arg11[%swap3A_61, %swap3A_62] {strides = array<i32>} : memref<25x128xf32, #tpu.memory_space<vmem>>, vector<1x16xf32>,
      %swap3A_64 = vector.shape_cast %swap3A_63 : vector<1x16xf32> to vector<16xf32>
      %swap3A_65 = vector.shape_cast %broadcast_in_dim3A_1 : vector<16xf32> to vector<1x16xf32>
      tpu.vector_store %arg11[%swap3A_61, %swap3A_62], %swap3A_65 {strides = array<i32>} : memref<25x128xf32, #tpu.memory_space<vmem>>, vector<1x16xf32>,
      %swap3A_66 = arith.index_cast %scan3A_31 : i32 to index
      %swap3A_67 = arith.constant 112 : index
      %swap3A_68 = tpu.vector_load %arg11[%swap3A_66, %swap3A_67] {strides = array<i32>} : memref<25x128xf32, #tpu.memory_space<vmem>>, vector<1x16xf32>,
      %swap3A_69 = vector.shape_cast %swap3A_68 : vector<1x16xf32> to vector<16xf32>
      %swap3A_70 = vector.shape_cast %broadcast_in_dim3A_1 : vector<16xf32> to vector<1x16xf32>
      tpu.vector_store %arg11[%swap3A_66, %swap3A_67], %swap3A_70 {strides = array<i32>} : memref<25x128xf32, #tpu.memory_space<vmem>>, vector<1x16xf32>,
    }
    %scan3A_6 = arith.constant 25 : i32
    %scan3A_7 = arith.constant 0 : i32
    %scan3A_8 = arith.constant 0 : i32
    %scan3A_9 = arith.constant 25 : i32
    %scan3A_10 = arith.addi %scan3A_8, %scan3A_9 : i32
    %scan3A_11 = arith.constant 1 : i32
    scf.for %scan3A_31 = %scan3A_8 to %scan3A_10 step %scan3A_11  : i32 {
      %mul3A_32 = arith.constant 625 : i32
      %mul3A_33 = arith.muli %arg1, %mul3A_32 : i32
      %mul3A_34 = arith.constant 25 : i32
      %mul3A_35 = arith.muli %scan3A_31, %mul3A_34 : i32
      %add3A_36 = arith.addi %mul3A_33, %mul3A_35 : i32
      "tpu.region"() ({
        %run_scoped3A = tpu.sem_alloc : memref<!tpu.dma_semaphore, #tpu.memory_space<semaphore_mem>>
        %dma_start3A = arith.constant 0 : i32
        %dma_start3A_37 = tpu.memref_slice %arg7[%add3A_36, %dma_start3A] : memref<10000x128xf32, #tpu.memory_space<vmem_shared>> -> memref<25x128xf32, #tpu.memory_space<vmem_shared>>
        %dma_start3A_38 = arith.constant 0 : i32
        %dma_start3A_39 = tpu.memref_slice %arg7[%add3A_36, %dma_start3A_38] : memref<10000x128xf32, #tpu.memory_space<vmem_shared>> -> memref<25x128xf32, #tpu.memory_space<vmem_shared>>
        tpu.enqueue_dma source(%arg11 : memref<25x128xf32, #tpu.memory_space<vmem>>) target(%dma_start3A_39 : memref<25x128xf32, #tpu.memory_space<vmem_shared>>) target_semaphore(%run_scoped3A : memref<!tpu.dma_semaphore, #tpu.memory_space<semaphore_mem>>)
        %dma_wait3A = arith.constant 0 : i32
        %dma_wait3A_40 = tpu.memref_slice %arg7[%add3A_36, %dma_wait3A] : memref<10000x128xf32, #tpu.memory_space<vmem_shared>> -> memref<25x128xf32, #tpu.memory_space<vmem_shared>>
        %dma_wait3A_41 = arith.constant 0 : i32
        %dma_wait3A_42 = tpu.memref_slice %arg7[%add3A_36, %dma_wait3A_41] : memref<10000x128xf32, #tpu.memory_space<vmem_shared>> -> memref<25x128xf32, #tpu.memory_space<vmem_shared>>
        tpu.wait_dma2 semaphore(%run_scoped3A : memref<!tpu.dma_semaphore, #tpu.memory_space<semaphore_mem>>) src(%arg11 : memref<25x128xf32, #tpu.memory_space<vmem>>) dst(%dma_wait3A_42 : memref<25x128xf32, #tpu.memory_space<vmem_shared>>)
        tpu.yield
      }) : () -> ()
    }
    %scan3A_12 = arith.constant 25 : i32
    %barrier3A = arith.constant 0 : index
    tpu.barrier barrier_id(%barrier3A)
    %mul3A_13 = arith.constant 10000 : i32
    %mul3A_14 = arith.muli %add3A, %mul3A_13 : i32
    %scan3A_15 = arith.constant 0 : i32
    %scan3A_16 = arith.constant 0 : i32
    %scan3A_17 = arith.constant 125 : i32
    %scan3A_18 = arith.addi %scan3A_16, %scan3A_17 : i32
    %scan3A_19 = arith.constant 1 : i32
    scf.for %scan3A_31 = %scan3A_16 to %scan3A_18 step %scan3A_19  : i32 {
      %mul3A_32 = arith.constant 80 : i32
      %mul3A_33 = arith.muli %scan3A_31, %mul3A_32 : i32
      %add3A_34 = arith.addi %mul3A_14, %mul3A_33 : i32
      "tpu.region"() ({
        %run_scoped3A = tpu.sem_alloc : memref<!tpu.dma_semaphore, #tpu.memory_space<semaphore_mem>>
        %dma_start3A_39 = tpu.memref_slice %arg3[%add3A_34] : memref<320000xi32, #tpu.memory_space<hbm>> -> memref<80xi32, #tpu.memory_space<hbm>>
        %dma_start3A_40 = tpu.memref_slice %arg3[%add3A_34] : memref<320000xi32, #tpu.memory_space<hbm>> -> memref<80xi32, #tpu.memory_space<hbm>>
        tpu.enqueue_dma source(%dma_start3A_40 : memref<80xi32, #tpu.memory_space<hbm>>) target(%arg8 : memref<80xi32, #tpu.memory_space<vmem>>) target_semaphore(%run_scoped3A : memref<!tpu.dma_semaphore, #tpu.memory_space<semaphore_mem>>)
        %dma_wait3A_41 = tpu.memref_slice %arg3[%add3A_34] : memref<320000xi32, #tpu.memory_space<hbm>> -> memref<80xi32, #tpu.memory_space<hbm>>
        %dma_wait3A_42 = tpu.memref_slice %arg3[%add3A_34] : memref<320000xi32, #tpu.memory_space<hbm>> -> memref<80xi32, #tpu.memory_space<hbm>>
        tpu.wait_dma2 semaphore(%run_scoped3A : memref<!tpu.dma_semaphore, #tpu.memory_space<semaphore_mem>>) src(%dma_wait3A_42 : memref<80xi32, #tpu.memory_space<hbm>>) dst(%arg8 : memref<80xi32, #tpu.memory_space<vmem>>)
        tpu.yield
      }) : () -> ()
      "tpu.region"() ({
        %run_scoped3A = tpu.sem_alloc : memref<!tpu.dma_semaphore, #tpu.memory_space<semaphore_mem>>
        %dma_start3A_39 = tpu.memref_slice %arg4[%add3A_34] : memref<320000xi32, #tpu.memory_space<hbm>> -> memref<80xi32, #tpu.memory_space<hbm>>
        %dma_start3A_40 = tpu.memref_slice %arg4[%add3A_34] : memref<320000xi32, #tpu.memory_space<hbm>> -> memref<80xi32, #tpu.memory_space<hbm>>
        tpu.enqueue_dma source(%dma_start3A_40 : memref<80xi32, #tpu.memory_space<hbm>>) target(%arg9 : memref<80xi32, #tpu.memory_space<vmem>>) target_semaphore(%run_scoped3A : memref<!tpu.dma_semaphore, #tpu.memory_space<semaphore_mem>>)
        %dma_wait3A_41 = tpu.memref_slice %arg4[%add3A_34] : memref<320000xi32, #tpu.memory_space<hbm>> -> memref<80xi32, #tpu.memory_space<hbm>>
        %dma_wait3A_42 = tpu.memref_slice %arg4[%add3A_34] : memref<320000xi32, #tpu.memory_space<hbm>> -> memref<80xi32, #tpu.memory_space<hbm>>
        tpu.wait_dma2 semaphore(%run_scoped3A : memref<!tpu.dma_semaphore, #tpu.memory_space<semaphore_mem>>) src(%dma_wait3A_42 : memref<80xi32, #tpu.memory_space<hbm>>) dst(%arg9 : memref<80xi32, #tpu.memory_space<vmem>>)
        tpu.yield
      }) : () -> ()
      %dma_start3A = arith.constant 0 : i32
      %dma_start3A_35 = arith.constant 0 : i32
      %dma_start3A_36 = tpu.memref_slice %arg2[%dma_start3A, %dma_start3A_35] : memref<10000x128xf32, #tpu.memory_space<hbm>> -> memref<10000x128xf32, #tpu.memory_space<hbm>>
      tpu.enqueue_indirect_dma source(%dma_start3A_36 : memref<10000x128xf32, #tpu.memory_space<hbm>>) target(%arg10 : memref<80x128xf32, #tpu.memory_space<vmem>>) offsets(%arg8 : memref<80xi32, #tpu.memory_space<vmem>>) semaphore(%arg12 : memref<!tpu.dma_semaphore, #tpu.memory_space<semaphore_mem>>)
      %dma_wait3A = arith.constant 0 : i32
      %dma_wait3A_37 = arith.constant 0 : i32
      %dma_wait3A_38 = tpu.memref_slice %arg2[%dma_wait3A, %dma_wait3A_37] : memref<10000x128xf32, #tpu.memory_space<hbm>> -> memref<10000x128xf32, #tpu.memory_space<hbm>>
      tpu.wait_indirect_dma semaphore(%arg12 : memref<!tpu.dma_semaphore, #tpu.memory_space<semaphore_mem>>) src(%dma_wait3A_38 : memref<10000x128xf32, #tpu.memory_space<hbm>>) dst(%arg10 : memref<80x128xf32, #tpu.memory_space<vmem>>)
      "tpu.region"() ({
        %run_scoped3A = tpu.sem_alloc : memref<!tpu.dma_semaphore, #tpu.memory_space<semaphore_mem>>
        %dma_start3A_39 = arith.constant 0 : i32
        %dma_start3A_40 = arith.constant 0 : i32
        %dma_start3A_41 = tpu.memref_slice %arg7[%dma_start3A_39, %dma_start3A_40] : memref<10000x128xf32, #tpu.memory_space<vmem_shared>> -> memref<10000x128xf32, #tpu.memory_space<vmem_shared>>
        tpu.enqueue_indirect_dma source(%arg10 : memref<80x128xf32, #tpu.memory_space<vmem>>) target(%dma_start3A_41 : memref<10000x128xf32, #tpu.memory_space<vmem_shared>>) offsets(%arg9 : memref<80xi32, #tpu.memory_space<vmem>>) semaphore(%run_scoped3A : memref<!tpu.dma_semaphore, #tpu.memory_space<semaphore_mem>>) {add = true}
        %dma_wait3A_42 = arith.constant 0 : i32
        %dma_wait3A_43 = arith.constant 0 : i32
        %dma_wait3A_44 = tpu.memref_slice %arg7[%dma_wait3A_42, %dma_wait3A_43] : memref<10000x128xf32, #tpu.memory_space<vmem_shared>> -> memref<10000x128xf32, #tpu.memory_space<vmem_shared>>
        tpu.wait_indirect_dma semaphore(%run_scoped3A : memref<!tpu.dma_semaphore, #tpu.memory_space<semaphore_mem>>) src(%arg10 : memref<80x128xf32, #tpu.memory_space<vmem>>) dst(%dma_wait3A_44 : memref<10000x128xf32, #tpu.memory_space<vmem_shared>>)
        tpu.yield
      }) : () -> ()
    }
    %scan3A_20 = arith.constant 125 : i32
    %barrier3A_21 = arith.constant 0 : index
    tpu.barrier barrier_id(%barrier3A_21)
    %mul3A_22 = arith.constant 624 : i32
    %mul3A_23 = arith.muli %arg1, %mul3A_22 : i32
    %eq3A = arith.constant 0 : i32
    %eq3A_24 = arith.cmpi eq, %arg0, %eq3A : i32
    %convert_element_type3A = arith.extui %eq3A_24 : i1 to i32
    %cond3A = arith.constant 0 : i32
    %cond3A_25 = arith.cmpi ne, %convert_element_type3A, %cond3A : i32
    scf.if %cond3A_25 {
      "tpu.region"() ({
        %run_scoped3A = tpu.sem_alloc : memref<!tpu.dma_semaphore, #tpu.memory_space<semaphore_mem>>
        %dma_start3A = arith.constant 0 : i32
        %dma_start3A_36 = tpu.memref_slice %arg5[%mul3A_23, %dma_start3A] : memref<10000x128xf32, #tpu.memory_space<hbm>> -> memref<624x128xf32, #tpu.memory_space<hbm>>
        %dma_start3A_37 = arith.constant 0 : i32
        %dma_start3A_38 = tpu.memref_slice %arg7[%mul3A_23, %dma_start3A_37] : memref<10000x128xf32, #tpu.memory_space<vmem_shared>> -> memref<624x128xf32, #tpu.memory_space<vmem_shared>>
        tpu.enqueue_dma source(%dma_start3A_38 : memref<624x128xf32, #tpu.memory_space<vmem_shared>>) target(%dma_start3A_36 : memref<624x128xf32, #tpu.memory_space<hbm>>) target_semaphore(%run_scoped3A : memref<!tpu.dma_semaphore, #tpu.memory_space<semaphore_mem>>)
        %dma_wait3A = arith.constant 0 : i32
        %dma_wait3A_39 = tpu.memref_slice %arg5[%mul3A_23, %dma_wait3A] : memref<10000x128xf32, #tpu.memory_space<hbm>> -> memref<624x128xf32, #tpu.memory_space<hbm>>
        %dma_wait3A_40 = arith.constant 0 : i32
        %dma_wait3A_41 = tpu.memref_slice %arg7[%mul3A_23, %dma_wait3A_40] : memref<10000x128xf32, #tpu.memory_space<vmem_shared>> -> memref<624x128xf32, #tpu.memory_space<vmem_shared>>
        tpu.wait_dma2 semaphore(%run_scoped3A : memref<!tpu.dma_semaphore, #tpu.memory_space<semaphore_mem>>) src(%dma_wait3A_41 : memref<624x128xf32, #tpu.memory_space<vmem_shared>>) dst(%dma_wait3A_39 : memref<624x128xf32, #tpu.memory_space<hbm>>)
        tpu.yield
      }) : () -> ()
      %eq3A_31 = arith.constant 15 : i32
      %eq3A_32 = arith.cmpi eq, %arg1, %eq3A_31 : i32
      %convert_element_type3A_33 = arith.extui %eq3A_32 : i1 to i32
      %cond3A_34 = arith.constant 0 : i32
      %cond3A_35 = arith.cmpi ne, %convert_element_type3A_33, %cond3A_34 : i32
      scf.if %cond3A_35 {
        "tpu.region"() ({
          %run_scoped3A = tpu.sem_alloc : memref<!tpu.dma_semaphore, #tpu.memory_space<semaphore_mem>>
          %dma_start3A = arith.constant 9984 : i32
          %dma_start3A_36 = arith.constant 0 : i32
          %dma_start3A_37 = tpu.memref_slice %arg5[%dma_start3A, %dma_start3A_36] : memref<10000x128xf32, #tpu.memory_space<hbm>> -> memref<16x128xf32, #tpu.memory_space<hbm>>
          %dma_start3A_38 = arith.constant 9984 : i32
          %dma_start3A_39 = arith.constant 0 : i32
          %dma_start3A_40 = tpu.memref_slice %arg7[%dma_start3A_38, %dma_start3A_39] : memref<10000x128xf32, #tpu.memory_space<vmem_shared>> -> memref<16x128xf32, #tpu.memory_space<vmem_shared>>
          tpu.enqueue_dma source(%dma_start3A_40 : memref<16x128xf32, #tpu.memory_space<vmem_shared>>) target(%dma_start3A_37 : memref<16x128xf32, #tpu.memory_space<hbm>>) target_semaphore(%run_scoped3A : memref<!tpu.dma_semaphore, #tpu.memory_space<semaphore_mem>>)
          %dma_wait3A = arith.constant 9984 : i32
          %dma_wait3A_41 = arith.constant 0 : i32
          %dma_wait3A_42 = tpu.memref_slice %arg5[%dma_wait3A, %dma_wait3A_41] : memref<10000x128xf32, #tpu.memory_space<hbm>> -> memref<16x128xf32, #tpu.memory_space<hbm>>
          %dma_wait3A_43 = arith.constant 9984 : i32
          %dma_wait3A_44 = arith.constant 0 : i32
          %dma_wait3A_45 = tpu.memref_slice %arg7[%dma_wait3A_43, %dma_wait3A_44] : memref<10000x128xf32, #tpu.memory_space<vmem_shared>> -> memref<16x128xf32, #tpu.memory_space<vmem_shared>>
          tpu.wait_dma2 semaphore(%run_scoped3A : memref<!tpu.dma_semaphore, #tpu.memory_space<semaphore_mem>>) src(%dma_wait3A_45 : memref<16x128xf32, #tpu.memory_space<vmem_shared>>) dst(%dma_wait3A_42 : memref<16x128xf32, #tpu.memory_space<hbm>>)
          tpu.yield
        }) : () -> ()
      } else {
      }
    } else {
    }
    %eq3A_26 = arith.constant 1 : i32
    %eq3A_27 = arith.cmpi eq, %arg0, %eq3A_26 : i32
    %convert_element_type3A_28 = arith.extui %eq3A_27 : i1 to i32
    %cond3A_29 = arith.constant 0 : i32
    %cond3A_30 = arith.cmpi ne, %convert_element_type3A_28, %cond3A_29 : i32
    scf.if %cond3A_30 {
      "tpu.region"() ({
        %run_scoped3A = tpu.sem_alloc : memref<!tpu.dma_semaphore, #tpu.memory_space<semaphore_mem>>
        %dma_start3A = arith.constant 0 : i32
        %dma_start3A_36 = tpu.memref_slice %arg6[%mul3A_23, %dma_start3A] : memref<10000x128xf32, #tpu.memory_space<hbm>> -> memref<624x128xf32, #tpu.memory_space<hbm>>
        %dma_start3A_37 = arith.constant 0 : i32
        %dma_start3A_38 = tpu.memref_slice %arg7[%mul3A_23, %dma_start3A_37] : memref<10000x128xf32, #tpu.memory_space<vmem_shared>> -> memref<624x128xf32, #tpu.memory_space<vmem_shared>>
        tpu.enqueue_dma source(%dma_start3A_38 : memref<624x128xf32, #tpu.memory_space<vmem_shared>>) target(%dma_start3A_36 : memref<624x128xf32, #tpu.memory_space<hbm>>) target_semaphore(%run_scoped3A : memref<!tpu.dma_semaphore, #tpu.memory_space<semaphore_mem>>)
        %dma_wait3A = arith.constant 0 : i32
        %dma_wait3A_39 = tpu.memref_slice %arg6[%mul3A_23, %dma_wait3A] : memref<10000x128xf32, #tpu.memory_space<hbm>> -> memref<624x128xf32, #tpu.memory_space<hbm>>
        %dma_wait3A_40 = arith.constant 0 : i32
        %dma_wait3A_41 = tpu.memref_slice %arg7[%mul3A_23, %dma_wait3A_40] : memref<10000x128xf32, #tpu.memory_space<vmem_shared>> -> memref<624x128xf32, #tpu.memory_space<vmem_shared>>
        tpu.wait_dma2 semaphore(%run_scoped3A : memref<!tpu.dma_semaphore, #tpu.memory_space<semaphore_mem>>) src(%dma_wait3A_41 : memref<624x128xf32, #tpu.memory_space<vmem_shared>>) dst(%dma_wait3A_39 : memref<624x128xf32, #tpu.memory_space<hbm>>)
        tpu.yield
      }) : () -> ()
      %eq3A_31 = arith.constant 15 : i32
      %eq3A_32 = arith.cmpi eq, %arg1, %eq3A_31 : i32
      %convert_element_type3A_33 = arith.extui %eq3A_32 : i1 to i32
      %cond3A_34 = arith.constant 0 : i32
      %cond3A_35 = arith.cmpi ne, %convert_element_type3A_33, %cond3A_34 : i32
      scf.if %cond3A_35 {
        "tpu.region"() ({
          %run_scoped3A = tpu.sem_alloc : memref<!tpu.dma_semaphore, #tpu.memory_space<semaphore_mem>>
          %dma_start3A = arith.constant 9984 : i32
          %dma_start3A_36 = arith.constant 0 : i32
          %dma_start3A_37 = tpu.memref_slice %arg6[%dma_start3A, %dma_start3A_36] : memref<10000x128xf32, #tpu.memory_space<hbm>> -> memref<16x128xf32, #tpu.memory_space<hbm>>
          %dma_start3A_38 = arith.constant 9984 : i32
          %dma_start3A_39 = arith.constant 0 : i32
          %dma_start3A_40 = tpu.memref_slice %arg7[%dma_start3A_38, %dma_start3A_39] : memref<10000x128xf32, #tpu.memory_space<vmem_shared>> -> memref<16x128xf32, #tpu.memory_space<vmem_shared>>
          tpu.enqueue_dma source(%dma_start3A_40 : memref<16x128xf32, #tpu.memory_space<vmem_shared>>) target(%dma_start3A_37 : memref<16x128xf32, #tpu.memory_space<hbm>>) target_semaphore(%run_scoped3A : memref<!tpu.dma_semaphore, #tpu.memory_space<semaphore_mem>>)
          %dma_wait3A = arith.constant 9984 : i32
          %dma_wait3A_41 = arith.constant 0 : i32
          %dma_wait3A_42 = tpu.memref_slice %arg6[%dma_wait3A, %dma_wait3A_41] : memref<10000x128xf32, #tpu.memory_space<hbm>> -> memref<16x128xf32, #tpu.memory_space<hbm>>
          %dma_wait3A_43 = arith.constant 9984 : i32
          %dma_wait3A_44 = arith.constant 0 : i32
          %dma_wait3A_45 = tpu.memref_slice %arg7[%dma_wait3A_43, %dma_wait3A_44] : memref<10000x128xf32, #tpu.memory_space<vmem_shared>> -> memref<16x128xf32, #tpu.memory_space<vmem_shared>>
          tpu.wait_dma2 semaphore(%run_scoped3A : memref<!tpu.dma_semaphore, #tpu.memory_space<semaphore_mem>>) src(%dma_wait3A_45 : memref<16x128xf32, #tpu.memory_space<vmem_shared>>) dst(%dma_wait3A_42 : memref<16x128xf32, #tpu.memory_space<hbm>>)
          tpu.yield
        }) : () -> ()
      } else {
      }
    } else {
    }
    return
  }
}

#map = affine_map<(d0, d1) -> (0, 0)>
#map1 = affine_map<(d0, d1) -> (0)>
module attributes {stable_mosaic.version = 14 : i64} {
  func.func @_sc_edge_aggr(%arg0: i32, %arg1: i32, %arg2: memref<10000x128xf32, #tpu.memory_space<hbm>>, %arg3: memref<320000xi32, #tpu.memory_space<hbm>>, %arg4: memref<320000xi32, #tpu.memory_space<hbm>>, %arg5: memref<10000x128xf32, #tpu.memory_space<hbm>>, %arg6: memref<10000x128xf32, #tpu.memory_space<hbm>>, %arg7: memref<10000x128xf32, #tpu.memory_space<vmem_shared>>, %arg8: memref<80xi32, #tpu.memory_space<vmem>>, %arg9: memref<80xi32, #tpu.memory_space<vmem>>, %arg10: memref<80x128xf32, #tpu.memory_space<vmem>>, %arg11: memref<25x128xf32, #tpu.memory_space<vmem>>, %arg12: memref<!tpu.dma_semaphore, #tpu.memory_space<semaphore_mem>>) attributes {dimension_semantics = [#tpu.dimension_semantics<core_parallel>, #tpu.dimension_semantics<subcore_parallel>], iteration_bounds = array<i64: 2, 16>, scalar_prefetch = 0 : i64, scratch_operands = 6 : i64, tpu.core_type = #tpu.core_type<sc_vector_subcore>, window_params = [{transform_indices = #map}, {transform_indices = #map1}, {transform_indices = #map1}, {transform_indices = #map}, {transform_indices = #map}]} {
    %mul3A = arith.constant 2 : i32
    %mul3A_0 = arith.muli %arg1, %mul3A : i32
    %add3A = arith.addi %mul3A_0, %arg0 : i32
    %broadcast_in_dim3A = arith.constant 0.000000e+00 : f32
    %broadcast_in_dim3A_1 = vector.broadcast %broadcast_in_dim3A : f32 to vector<16xf32>
    %scan3A = arith.constant 0 : i32
    %scan3A_2 = arith.constant 0 : i32
    %scan3A_3 = arith.constant 25 : i32
    %scan3A_4 = arith.addi %scan3A_2, %scan3A_3 : i32
    %scan3A_5 = arith.constant 1 : i32
    scf.for %scan3A_31 = %scan3A_2 to %scan3A_4 step %scan3A_5  : i32 {
      %swap3A = arith.index_cast %scan3A_31 : i32 to index
      %swap3A_32 = arith.constant 0 : index
      %swap3A_33 = tpu.vector_load %arg11[%swap3A, %swap3A_32] {strides = array<i32>} : memref<25x128xf32, #tpu.memory_space<vmem>>, vector<1x16xf32>,
      %swap3A_34 = vector.shape_cast %swap3A_33 : vector<1x16xf32> to vector<16xf32>
      %swap3A_35 = vector.shape_cast %broadcast_in_dim3A_1 : vector<16xf32> to vector<1x16xf32>
      tpu.vector_store %arg11[%swap3A, %swap3A_32], %swap3A_35 {strides = array<i32>} : memref<25x128xf32, #tpu.memory_space<vmem>>, vector<1x16xf32>,
      %swap3A_36 = arith.index_cast %scan3A_31 : i32 to index
      %swap3A_37 = arith.constant 16 : index
      %swap3A_38 = tpu.vector_load %arg11[%swap3A_36, %swap3A_37] {strides = array<i32>} : memref<25x128xf32, #tpu.memory_space<vmem>>, vector<1x16xf32>,
      %swap3A_39 = vector.shape_cast %swap3A_38 : vector<1x16xf32> to vector<16xf32>
      %swap3A_40 = vector.shape_cast %broadcast_in_dim3A_1 : vector<16xf32> to vector<1x16xf32>
      tpu.vector_store %arg11[%swap3A_36, %swap3A_37], %swap3A_40 {strides = array<i32>} : memref<25x128xf32, #tpu.memory_space<vmem>>, vector<1x16xf32>,
      %swap3A_41 = arith.index_cast %scan3A_31 : i32 to index
      %swap3A_42 = arith.constant 32 : index
      %swap3A_43 = tpu.vector_load %arg11[%swap3A_41, %swap3A_42] {strides = array<i32>} : memref<25x128xf32, #tpu.memory_space<vmem>>, vector<1x16xf32>,
      %swap3A_44 = vector.shape_cast %swap3A_43 : vector<1x16xf32> to vector<16xf32>
      %swap3A_45 = vector.shape_cast %broadcast_in_dim3A_1 : vector<16xf32> to vector<1x16xf32>
      tpu.vector_store %arg11[%swap3A_41, %swap3A_42], %swap3A_45 {strides = array<i32>} : memref<25x128xf32, #tpu.memory_space<vmem>>, vector<1x16xf32>,
      %swap3A_46 = arith.index_cast %scan3A_31 : i32 to index
      %swap3A_47 = arith.constant 48 : index
      %swap3A_48 = tpu.vector_load %arg11[%swap3A_46, %swap3A_47] {strides = array<i32>} : memref<25x128xf32, #tpu.memory_space<vmem>>, vector<1x16xf32>,
      %swap3A_49 = vector.shape_cast %swap3A_48 : vector<1x16xf32> to vector<16xf32>
      %swap3A_50 = vector.shape_cast %broadcast_in_dim3A_1 : vector<16xf32> to vector<1x16xf32>
      tpu.vector_store %arg11[%swap3A_46, %swap3A_47], %swap3A_50 {strides = array<i32>} : memref<25x128xf32, #tpu.memory_space<vmem>>, vector<1x16xf32>,
      %swap3A_51 = arith.index_cast %scan3A_31 : i32 to index
      %swap3A_52 = arith.constant 64 : index
      %swap3A_53 = tpu.vector_load %arg11[%swap3A_51, %swap3A_52] {strides = array<i32>} : memref<25x128xf32, #tpu.memory_space<vmem>>, vector<1x16xf32>,
      %swap3A_54 = vector.shape_cast %swap3A_53 : vector<1x16xf32> to vector<16xf32>
      %swap3A_55 = vector.shape_cast %broadcast_in_dim3A_1 : vector<16xf32> to vector<1x16xf32>
      tpu.vector_store %arg11[%swap3A_51, %swap3A_52], %swap3A_55 {strides = array<i32>} : memref<25x128xf32, #tpu.memory_space<vmem>>, vector<1x16xf32>,
      %swap3A_56 = arith.index_cast %scan3A_31 : i32 to index
      %swap3A_57 = arith.constant 80 : index
      %swap3A_58 = tpu.vector_load %arg11[%swap3A_56, %swap3A_57] {strides = array<i32>} : memref<25x128xf32, #tpu.memory_space<vmem>>, vector<1x16xf32>,
      %swap3A_59 = vector.shape_cast %swap3A_58 : vector<1x16xf32> to vector<16xf32>
      %swap3A_60 = vector.shape_cast %broadcast_in_dim3A_1 : vector<16xf32> to vector<1x16xf32>
      tpu.vector_store %arg11[%swap3A_56, %swap3A_57], %swap3A_60 {strides = array<i32>} : memref<25x128xf32, #tpu.memory_space<vmem>>, vector<1x16xf32>,
      %swap3A_61 = arith.index_cast %scan3A_31 : i32 to index
      %swap3A_62 = arith.constant 96 : index
      %swap3A_63 = tpu.vector_load %arg11[%swap3A_61, %swap3A_62] {strides = array<i32>} : memref<25x128xf32, #tpu.memory_space<vmem>>, vector<1x16xf32>,
      %swap3A_64 = vector.shape_cast %swap3A_63 : vector<1x16xf32> to vector<16xf32>
      %swap3A_65 = vector.shape_cast %broadcast_in_dim3A_1 : vector<16xf32> to vector<1x16xf32>
      tpu.vector_store %arg11[%swap3A_61, %swap3A_62], %swap3A_65 {strides = array<i32>} : memref<25x128xf32, #tpu.memory_space<vmem>>, vector<1x16xf32>,
      %swap3A_66 = arith.index_cast %scan3A_31 : i32 to index
      %swap3A_67 = arith.constant 112 : index
      %swap3A_68 = tpu.vector_load %arg11[%swap3A_66, %swap3A_67] {strides = array<i32>} : memref<25x128xf32, #tpu.memory_space<vmem>>, vector<1x16xf32>,
      %swap3A_69 = vector.shape_cast %swap3A_68 : vector<1x16xf32> to vector<16xf32>
      %swap3A_70 = vector.shape_cast %broadcast_in_dim3A_1 : vector<16xf32> to vector<1x16xf32>
      tpu.vector_store %arg11[%swap3A_66, %swap3A_67], %swap3A_70 {strides = array<i32>} : memref<25x128xf32, #tpu.memory_space<vmem>>, vector<1x16xf32>,
    }
    %scan3A_6 = arith.constant 25 : i32
    %scan3A_7 = arith.constant 0 : i32
    %scan3A_8 = arith.constant 0 : i32
    %scan3A_9 = arith.constant 25 : i32
    %scan3A_10 = arith.addi %scan3A_8, %scan3A_9 : i32
    %scan3A_11 = arith.constant 1 : i32
    scf.for %scan3A_31 = %scan3A_8 to %scan3A_10 step %scan3A_11  : i32 {
      %mul3A_32 = arith.constant 625 : i32
      %mul3A_33 = arith.muli %arg1, %mul3A_32 : i32
      %mul3A_34 = arith.constant 25 : i32
      %mul3A_35 = arith.muli %scan3A_31, %mul3A_34 : i32
      %add3A_36 = arith.addi %mul3A_33, %mul3A_35 : i32
      "tpu.region"() ({
        %run_scoped3A = tpu.sem_alloc : memref<!tpu.dma_semaphore, #tpu.memory_space<semaphore_mem>>
        %dma_start3A = arith.constant 0 : i32
        %dma_start3A_37 = tpu.memref_slice %arg7[%add3A_36, %dma_start3A] : memref<10000x128xf32, #tpu.memory_space<vmem_shared>> -> memref<25x128xf32, #tpu.memory_space<vmem_shared>>
        %dma_start3A_38 = arith.constant 0 : i32
        %dma_start3A_39 = tpu.memref_slice %arg7[%add3A_36, %dma_start3A_38] : memref<10000x128xf32, #tpu.memory_space<vmem_shared>> -> memref<25x128xf32, #tpu.memory_space<vmem_shared>>
        tpu.enqueue_dma source(%arg11 : memref<25x128xf32, #tpu.memory_space<vmem>>) target(%dma_start3A_39 : memref<25x128xf32, #tpu.memory_space<vmem_shared>>) target_semaphore(%run_scoped3A : memref<!tpu.dma_semaphore, #tpu.memory_space<semaphore_mem>>)
        %dma_wait3A = arith.constant 0 : i32
        %dma_wait3A_40 = tpu.memref_slice %arg7[%add3A_36, %dma_wait3A] : memref<10000x128xf32, #tpu.memory_space<vmem_shared>> -> memref<25x128xf32, #tpu.memory_space<vmem_shared>>
        %dma_wait3A_41 = arith.constant 0 : i32
        %dma_wait3A_42 = tpu.memref_slice %arg7[%add3A_36, %dma_wait3A_41] : memref<10000x128xf32, #tpu.memory_space<vmem_shared>> -> memref<25x128xf32, #tpu.memory_space<vmem_shared>>
        tpu.wait_dma2 semaphore(%run_scoped3A : memref<!tpu.dma_semaphore, #tpu.memory_space<semaphore_mem>>) src(%arg11 : memref<25x128xf32, #tpu.memory_space<vmem>>) dst(%dma_wait3A_42 : memref<25x128xf32, #tpu.memory_space<vmem_shared>>)
        tpu.yield
      }) : () -> ()
    }
    %scan3A_12 = arith.constant 25 : i32
    %barrier3A = arith.constant 0 : index
    tpu.barrier barrier_id(%barrier3A)
    %mul3A_13 = arith.constant 10000 : i32
    %mul3A_14 = arith.muli %add3A, %mul3A_13 : i32
    %scan3A_15 = arith.constant 0 : i32
    %scan3A_16 = arith.constant 0 : i32
    %scan3A_17 = arith.constant 125 : i32
    %scan3A_18 = arith.addi %scan3A_16, %scan3A_17 : i32
    %scan3A_19 = arith.constant 1 : i32
    scf.for %scan3A_31 = %scan3A_16 to %scan3A_18 step %scan3A_19  : i32 {
      %mul3A_32 = arith.constant 80 : i32
      %mul3A_33 = arith.muli %scan3A_31, %mul3A_32 : i32
      %add3A_34 = arith.addi %mul3A_14, %mul3A_33 : i32
      "tpu.region"() ({
        %run_scoped3A = tpu.sem_alloc : memref<!tpu.dma_semaphore, #tpu.memory_space<semaphore_mem>>
        %dma_start3A_39 = tpu.memref_slice %arg3[%add3A_34] : memref<320000xi32, #tpu.memory_space<hbm>> -> memref<80xi32, #tpu.memory_space<hbm>>
        %dma_start3A_40 = tpu.memref_slice %arg3[%add3A_34] : memref<320000xi32, #tpu.memory_space<hbm>> -> memref<80xi32, #tpu.memory_space<hbm>>
        tpu.enqueue_dma source(%dma_start3A_40 : memref<80xi32, #tpu.memory_space<hbm>>) target(%arg8 : memref<80xi32, #tpu.memory_space<vmem>>) target_semaphore(%run_scoped3A : memref<!tpu.dma_semaphore, #tpu.memory_space<semaphore_mem>>)
        %dma_wait3A_41 = tpu.memref_slice %arg3[%add3A_34] : memref<320000xi32, #tpu.memory_space<hbm>> -> memref<80xi32, #tpu.memory_space<hbm>>
        %dma_wait3A_42 = tpu.memref_slice %arg3[%add3A_34] : memref<320000xi32, #tpu.memory_space<hbm>> -> memref<80xi32, #tpu.memory_space<hbm>>
        tpu.wait_dma2 semaphore(%run_scoped3A : memref<!tpu.dma_semaphore, #tpu.memory_space<semaphore_mem>>) src(%dma_wait3A_42 : memref<80xi32, #tpu.memory_space<hbm>>) dst(%arg8 : memref<80xi32, #tpu.memory_space<vmem>>)
        tpu.yield
      }) : () -> ()
      "tpu.region"() ({
        %run_scoped3A = tpu.sem_alloc : memref<!tpu.dma_semaphore, #tpu.memory_space<semaphore_mem>>
        %dma_start3A_39 = tpu.memref_slice %arg4[%add3A_34] : memref<320000xi32, #tpu.memory_space<hbm>> -> memref<80xi32, #tpu.memory_space<hbm>>
        %dma_start3A_40 = tpu.memref_slice %arg4[%add3A_34] : memref<320000xi32, #tpu.memory_space<hbm>> -> memref<80xi32, #tpu.memory_space<hbm>>
        tpu.enqueue_dma source(%dma_start3A_40 : memref<80xi32, #tpu.memory_space<hbm>>) target(%arg9 : memref<80xi32, #tpu.memory_space<vmem>>) target_semaphore(%run_scoped3A : memref<!tpu.dma_semaphore, #tpu.memory_space<semaphore_mem>>)
        %dma_wait3A_41 = tpu.memref_slice %arg4[%add3A_34] : memref<320000xi32, #tpu.memory_space<hbm>> -> memref<80xi32, #tpu.memory_space<hbm>>
        %dma_wait3A_42 = tpu.memref_slice %arg4[%add3A_34] : memref<320000xi32, #tpu.memory_space<hbm>> -> memref<80xi32, #tpu.memory_space<hbm>>
        tpu.wait_dma2 semaphore(%run_scoped3A : memref<!tpu.dma_semaphore, #tpu.memory_space<semaphore_mem>>) src(%dma_wait3A_42 : memref<80xi32, #tpu.memory_space<hbm>>) dst(%arg9 : memref<80xi32, #tpu.memory_space<vmem>>)
        tpu.yield
      }) : () -> ()
      %dma_start3A = arith.constant 0 : i32
      %dma_start3A_35 = arith.constant 0 : i32
      %dma_start3A_36 = tpu.memref_slice %arg2[%dma_start3A, %dma_start3A_35] : memref<10000x128xf32, #tpu.memory_space<hbm>> -> memref<10000x128xf32, #tpu.memory_space<hbm>>
      tpu.enqueue_indirect_dma source(%dma_start3A_36 : memref<10000x128xf32, #tpu.memory_space<hbm>>) target(%arg10 : memref<80x128xf32, #tpu.memory_space<vmem>>) offsets(%arg8 : memref<80xi32, #tpu.memory_space<vmem>>) semaphore(%arg12 : memref<!tpu.dma_semaphore, #tpu.memory_space<semaphore_mem>>)
      %dma_wait3A = arith.constant 0 : i32
      %dma_wait3A_37 = arith.constant 0 : i32
      %dma_wait3A_38 = tpu.memref_slice %arg2[%dma_wait3A, %dma_wait3A_37] : memref<10000x128xf32, #tpu.memory_space<hbm>> -> memref<10000x128xf32, #tpu.memory_space<hbm>>
      tpu.wait_indirect_dma semaphore(%arg12 : memref<!tpu.dma_semaphore, #tpu.memory_space<semaphore_mem>>) src(%dma_wait3A_38 : memref<10000x128xf32, #tpu.memory_space<hbm>>) dst(%arg10 : memref<80x128xf32, #tpu.memory_space<vmem>>)
      "tpu.region"() ({
        %run_scoped3A = tpu.sem_alloc : memref<!tpu.dma_semaphore, #tpu.memory_space<semaphore_mem>>
        %dma_start3A_39 = arith.constant 0 : i32
        %dma_start3A_40 = arith.constant 0 : i32
        %dma_start3A_41 = tpu.memref_slice %arg7[%dma_start3A_39, %dma_start3A_40] : memref<10000x128xf32, #tpu.memory_space<vmem_shared>> -> memref<10000x128xf32, #tpu.memory_space<vmem_shared>>
        tpu.enqueue_indirect_dma source(%arg10 : memref<80x128xf32, #tpu.memory_space<vmem>>) target(%dma_start3A_41 : memref<10000x128xf32, #tpu.memory_space<vmem_shared>>) offsets(%arg9 : memref<80xi32, #tpu.memory_space<vmem>>) semaphore(%run_scoped3A : memref<!tpu.dma_semaphore, #tpu.memory_space<semaphore_mem>>) {add = true}
        %dma_wait3A_42 = arith.constant 0 : i32
        %dma_wait3A_43 = arith.constant 0 : i32
        %dma_wait3A_44 = tpu.memref_slice %arg7[%dma_wait3A_42, %dma_wait3A_43] : memref<10000x128xf32, #tpu.memory_space<vmem_shared>> -> memref<10000x128xf32, #tpu.memory_space<vmem_shared>>
        tpu.wait_indirect_dma semaphore(%run_scoped3A : memref<!tpu.dma_semaphore, #tpu.memory_space<semaphore_mem>>) src(%arg10 : memref<80x128xf32, #tpu.memory_space<vmem>>) dst(%dma_wait3A_44 : memref<10000x128xf32, #tpu.memory_space<vmem_shared>>)
        tpu.yield
      }) : () -> ()
    }
    %scan3A_20 = arith.constant 125 : i32
    %barrier3A_21 = arith.constant 0 : index
    tpu.barrier barrier_id(%barrier3A_21)
    %mul3A_22 = arith.constant 624 : i32
    %mul3A_23 = arith.muli %arg1, %mul3A_22 : i32
    %eq3A = arith.constant 0 : i32
    %eq3A_24 = arith.cmpi eq, %arg0, %eq3A : i32
    %convert_element_type3A = arith.extui %eq3A_24 : i1 to i32
    %cond3A = arith.constant 0 : i32
    %cond3A_25 = arith.cmpi ne, %convert_element_type3A, %cond3A : i32
    scf.if %cond3A_25 {
      "tpu.region"() ({
        %run_scoped3A = tpu.sem_alloc : memref<!tpu.dma_semaphore, #tpu.memory_space<semaphore_mem>>
        %dma_start3A = arith.constant 0 : i32
        %dma_start3A_36 = tpu.memref_slice %arg5[%mul3A_23, %dma_start3A] : memref<10000x128xf32, #tpu.memory_space<hbm>> -> memref<624x128xf32, #tpu.memory_space<hbm>>
        %dma_start3A_37 = arith.constant 0 : i32
        %dma_start3A_38 = tpu.memref_slice %arg7[%mul3A_23, %dma_start3A_37] : memref<10000x128xf32, #tpu.memory_space<vmem_shared>> -> memref<624x128xf32, #tpu.memory_space<vmem_shared>>
        tpu.enqueue_dma source(%dma_start3A_38 : memref<624x128xf32, #tpu.memory_space<vmem_shared>>) target(%dma_start3A_36 : memref<624x128xf32, #tpu.memory_space<hbm>>) target_semaphore(%run_scoped3A : memref<!tpu.dma_semaphore, #tpu.memory_space<semaphore_mem>>)
        %dma_wait3A = arith.constant 0 : i32
        %dma_wait3A_39 = tpu.memref_slice %arg5[%mul3A_23, %dma_wait3A] : memref<10000x128xf32, #tpu.memory_space<hbm>> -> memref<624x128xf32, #tpu.memory_space<hbm>>
        %dma_wait3A_40 = arith.constant 0 : i32
        %dma_wait3A_41 = tpu.memref_slice %arg7[%mul3A_23, %dma_wait3A_40] : memref<10000x128xf32, #tpu.memory_space<vmem_shared>> -> memref<624x128xf32, #tpu.memory_space<vmem_shared>>
        tpu.wait_dma2 semaphore(%run_scoped3A : memref<!tpu.dma_semaphore, #tpu.memory_space<semaphore_mem>>) src(%dma_wait3A_41 : memref<624x128xf32, #tpu.memory_space<vmem_shared>>) dst(%dma_wait3A_39 : memref<624x128xf32, #tpu.memory_space<hbm>>)
        tpu.yield
      }) : () -> ()
      %eq3A_31 = arith.constant 15 : i32
      %eq3A_32 = arith.cmpi eq, %arg1, %eq3A_31 : i32
      %convert_element_type3A_33 = arith.extui %eq3A_32 : i1 to i32
      %cond3A_34 = arith.constant 0 : i32
      %cond3A_35 = arith.cmpi ne, %convert_element_type3A_33, %cond3A_34 : i32
      scf.if %cond3A_35 {
        "tpu.region"() ({
          %run_scoped3A = tpu.sem_alloc : memref<!tpu.dma_semaphore, #tpu.memory_space<semaphore_mem>>
          %dma_start3A = arith.constant 9984 : i32
          %dma_start3A_36 = arith.constant 0 : i32
          %dma_start3A_37 = tpu.memref_slice %arg5[%dma_start3A, %dma_start3A_36] : memref<10000x128xf32, #tpu.memory_space<hbm>> -> memref<16x128xf32, #tpu.memory_space<hbm>>
          %dma_start3A_38 = arith.constant 9984 : i32
          %dma_start3A_39 = arith.constant 0 : i32
          %dma_start3A_40 = tpu.memref_slice %arg7[%dma_start3A_38, %dma_start3A_39] : memref<10000x128xf32, #tpu.memory_space<vmem_shared>> -> memref<16x128xf32, #tpu.memory_space<vmem_shared>>
          tpu.enqueue_dma source(%dma_start3A_40 : memref<16x128xf32, #tpu.memory_space<vmem_shared>>) target(%dma_start3A_37 : memref<16x128xf32, #tpu.memory_space<hbm>>) target_semaphore(%run_scoped3A : memref<!tpu.dma_semaphore, #tpu.memory_space<semaphore_mem>>)
          %dma_wait3A = arith.constant 9984 : i32
          %dma_wait3A_41 = arith.constant 0 : i32
          %dma_wait3A_42 = tpu.memref_slice %arg5[%dma_wait3A, %dma_wait3A_41] : memref<10000x128xf32, #tpu.memory_space<hbm>> -> memref<16x128xf32, #tpu.memory_space<hbm>>
          %dma_wait3A_43 = arith.constant 9984 : i32
          %dma_wait3A_44 = arith.constant 0 : i32
          %dma_wait3A_45 = tpu.memref_slice %arg7[%dma_wait3A_43, %dma_wait3A_44] : memref<10000x128xf32, #tpu.memory_space<vmem_shared>> -> memref<16x128xf32, #tpu.memory_space<vmem_shared>>
          tpu.wait_dma2 semaphore(%run_scoped3A : memref<!tpu.dma_semaphore, #tpu.memory_space<semaphore_mem>>) src(%dma_wait3A_45 : memref<16x128xf32, #tpu.memory_space<vmem_shared>>) dst(%dma_wait3A_42 : memref<16x128xf32, #tpu.memory_space<hbm>>)
          tpu.yield
        }) : () -> ()
      } else {
      }
    } else {
    }
    %eq3A_26 = arith.constant 1 : i32
    %eq3A_27 = arith.cmpi eq, %arg0, %eq3A_26 : i32
    %convert_element_type3A_28 = arith.extui %eq3A_27 : i1 to i32
    %cond3A_29 = arith.constant 0 : i32
    %cond3A_30 = arith.cmpi ne, %convert_element_type3A_28, %cond3A_29 : i32
    scf.if %cond3A_30 {
      "tpu.region"() ({
        %run_scoped3A = tpu.sem_alloc : memref<!tpu.dma_semaphore, #tpu.memory_space<semaphore_mem>>
        %dma_start3A = arith.constant 0 : i32
        %dma_start3A_36 = tpu.memref_slice %arg6[%mul3A_23, %dma_start3A] : memref<10000x128xf32, #tpu.memory_space<hbm>> -> memref<624x128xf32, #tpu.memory_space<hbm>>
        %dma_start3A_37 = arith.constant 0 : i32
        %dma_start3A_38 = tpu.memref_slice %arg7[%mul3A_23, %dma_start3A_37] : memref<10000x128xf32, #tpu.memory_space<vmem_shared>> -> memref<624x128xf32, #tpu.memory_space<vmem_shared>>
        tpu.enqueue_dma source(%dma_start3A_38 : memref<624x128xf32, #tpu.memory_space<vmem_shared>>) target(%dma_start3A_36 : memref<624x128xf32, #tpu.memory_space<hbm>>) target_semaphore(%run_scoped3A : memref<!tpu.dma_semaphore, #tpu.memory_space<semaphore_mem>>)
        %dma_wait3A = arith.constant 0 : i32
        %dma_wait3A_39 = tpu.memref_slice %arg6[%mul3A_23, %dma_wait3A] : memref<10000x128xf32, #tpu.memory_space<hbm>> -> memref<624x128xf32, #tpu.memory_space<hbm>>
        %dma_wait3A_40 = arith.constant 0 : i32
        %dma_wait3A_41 = tpu.memref_slice %arg7[%mul3A_23, %dma_wait3A_40] : memref<10000x128xf32, #tpu.memory_space<vmem_shared>> -> memref<624x128xf32, #tpu.memory_space<vmem_shared>>
        tpu.wait_dma2 semaphore(%run_scoped3A : memref<!tpu.dma_semaphore, #tpu.memory_space<semaphore_mem>>) src(%dma_wait3A_41 : memref<624x128xf32, #tpu.memory_space<vmem_shared>>) dst(%dma_wait3A_39 : memref<624x128xf32, #tpu.memory_space<hbm>>)
        tpu.yield
      }) : () -> ()
      %eq3A_31 = arith.constant 15 : i32
      %eq3A_32 = arith.cmpi eq, %arg1, %eq3A_31 : i32
      %convert_element_type3A_33 = arith.extui %eq3A_32 : i1 to i32
      %cond3A_34 = arith.constant 0 : i32
      %cond3A_35 = arith.cmpi ne, %convert_element_type3A_33, %cond3A_34 : i32
      scf.if %cond3A_35 {
        "tpu.region"() ({
          %run_scoped3A = tpu.sem_alloc : memref<!tpu.dma_semaphore, #tpu.memory_space<semaphore_mem>>
          %dma_start3A = arith.constant 9984 : i32
          %dma_start3A_36 = arith.constant 0 : i32
          %dma_start3A_37 = tpu.memref_slice %arg6[%dma_start3A, %dma_start3A_36] : memref<10000x128xf32, #tpu.memory_space<hbm>> -> memref<16x128xf32, #tpu.memory_space<hbm>>
          %dma_start3A_38 = arith.constant 9984 : i32
          %dma_start3A_39 = arith.constant 0 : i32
          %dma_start3A_40 = tpu.memref_slice %arg7[%dma_start3A_38, %dma_start3A_39] : memref<10000x128xf32, #tpu.memory_space<vmem_shared>> -> memref<16x128xf32, #tpu.memory_space<vmem_shared>>
          tpu.enqueue_dma source(%dma_start3A_40 : memref<16x128xf32, #tpu.memory_space<vmem_shared>>) target(%dma_start3A_37 : memref<16x128xf32, #tpu.memory_space<hbm>>) target_semaphore(%run_scoped3A : memref<!tpu.dma_semaphore, #tpu.memory_space<semaphore_mem>>)
          %dma_wait3A = arith.constant 9984 : i32
          %dma_wait3A_41 = arith.constant 0 : i32
          %dma_wait3A_42 = tpu.memref_slice %arg6[%dma_wait3A, %dma_wait3A_41] : memref<10000x128xf32, #tpu.memory_space<hbm>> -> memref<16x128xf32, #tpu.memory_space<hbm>>
          %dma_wait3A_43 = arith.constant 9984 : i32
          %dma_wait3A_44 = arith.constant 0 : i32
          %dma_wait3A_45 = tpu.memref_slice %arg7[%dma_wait3A_43, %dma_wait3A_44] : memref<10000x128xf32, #tpu.memory_space<vmem_shared>> -> memref<16x128xf32, #tpu.memory_space<vmem_shared>>
          tpu.wait_dma2 semaphore(%run_scoped3A : memref<!tpu.dma_semaphore, #tpu.memory_space<semaphore_mem>>) src(%dma_wait3A_45 : memref<16x128xf32, #tpu.memory_space<vmem_shared>>) dst(%dma_wait3A_42 : memref<16x128xf32, #tpu.memory_space<hbm>>)
          tpu.yield
        }) : () -> ()
      } else {
      }
    } else {
    }
    return
  }
}

module attributes {stable_mosaic.version = 14 : i64} {
  func.func @_init_body(%arg0: i32, %arg1: memref<1000x32xf32, #tpu.memory_space<vmem>>, %arg2: memref<32x128xf32, #tpu.memory_space<vmem>>, %arg3: memref<1x128xf32, #tpu.memory_space<vmem>>, %arg4: memref<1000x128xf32, #tpu.memory_space<vmem>>) attributes {dimension_semantics = [#tpu.dimension_semantics<arbitrary>], iteration_bounds = array<i64: 10>, scalar_prefetch = 0 : i64, scratch_operands = 0 : i64, tpu.core_type = #tpu.core_type<tc>, window_params = [{transform_indices = @transform_0, window_bounds = array<i64: 1000, 32>}, {pipeline_mode = #tpu.pipeline_mode<synchronous>, transform_indices = @transform_1, window_bounds = array<i64: 32, 128>}, {pipeline_mode = #tpu.pipeline_mode<synchronous>, transform_indices = @transform_2, window_bounds = array<i64: 1, 128>}, {transform_indices = @transform_3, window_bounds = array<i64: 1000, 128>}]} {
    %get3A = arith.constant 0 : index
    %get3A_0 = arith.constant 0 : index
    %get3A_1 = vector.load %arg1[%get3A, %get3A_0] : memref<1000x32xf32, #tpu.memory_space<vmem>>, vector<1000x32xf32>
    %get3A_2 = arith.constant 0 : index
    %get3A_3 = arith.constant 0 : index
    %get3A_4 = vector.load %arg2[%get3A_2, %get3A_3] : memref<32x128xf32, #tpu.memory_space<vmem>>, vector<32x128xf32>
    %dot_general3A = arith.constant dense<0.000000e+00> : vector<1000x128xf32>
    %dot_general3A_5 = tpu.matmul %get3A_1, %get3A_4, %dot_general3A {dimension_numbers = #tpu.dot_dimension_numbers<[1], [0], [0], [1], [0, 0, 1, 1], [], []>, transpose_lhs_hint = false} : vector<1000x32xf32>, vector<32x128xf32>, vector<1000x128xf32> -> vector<1000x128xf32>
    %get3A_6 = arith.constant 0 : index
    %get3A_7 = arith.constant 0 : index
    %get3A_8 = vector.load %arg3[%get3A_6, %get3A_7] : memref<1x128xf32, #tpu.memory_space<vmem>>, vector<1x128xf32>
    %add3A = vector.broadcast %get3A_8 : vector<1x128xf32> to vector<1000x128xf32>
    %add3A_9 = arith.addf %dot_general3A_5, %add3A : vector<1000x128xf32>
    %swap3A = arith.constant 0 : index
    %swap3A_10 = arith.constant 0 : index
    %swap3A_11 = vector.load %arg4[%swap3A, %swap3A_10] : memref<1000x128xf32, #tpu.memory_space<vmem>>, vector<1000x128xf32>
    tpu.vector_store %arg4[%swap3A, %swap3A_10], %add3A_9 {strides = array<i32>} : memref<1000x128xf32, #tpu.memory_space<vmem>>, vector<1000x128xf32>,
    return
  }
  func.func @transform_0(%arg0: i32) -> (i32, i32) {
    %c0_i32 = arith.constant 0 : i32
    %c0_i32_0 = arith.constant 0 : i32
    return %arg0, %c0_i32 : i32, i32
  }
  func.func @transform_1(%arg0: i32) -> (i32, i32) {
    %c0_i32 = arith.constant 0 : i32
    %c0_i32_0 = arith.constant 0 : i32
    %c0_i32_1 = arith.constant 0 : i32
    return %c0_i32, %c0_i32_0 : i32, i32
  }
  func.func @transform_2(%arg0: i32) -> (i32, i32) {
    %c0_i32 = arith.constant 0 : i32
    %c0_i32_0 = arith.constant 0 : i32
    %c0_i32_1 = arith.constant 0 : i32
    return %c0_i32, %c0_i32_0 : i32, i32
  }
  func.func @transform_3(%arg0: i32) -> (i32, i32) {
    %c0_i32 = arith.constant 0 : i32
    %c0_i32_0 = arith.constant 0 : i32
    return %arg0, %c0_i32 : i32, i32
  }
}

module attributes {stable_mosaic.version = 14 : i64} {
  func.func @_mlp_body(%arg0: i32, %arg1: memref<1000x128xf32, #tpu.memory_space<vmem>>, %arg2: memref<1000x128xf32, #tpu.memory_space<vmem>>, %arg3: memref<1000x128xf32, #tpu.memory_space<vmem>>, %arg4: memref<128x128xf32, #tpu.memory_space<vmem>>, %arg5: memref<1x128xf32, #tpu.memory_space<vmem>>, %arg6: memref<128x128xf32, #tpu.memory_space<vmem>>, %arg7: memref<1x128xf32, #tpu.memory_space<vmem>>, %arg8: memref<1000x128xf32, #tpu.memory_space<vmem>>) attributes {dimension_semantics = [#tpu.dimension_semantics<arbitrary>], iteration_bounds = array<i64: 10>, scalar_prefetch = 0 : i64, scratch_operands = 0 : i64, tpu.core_type = #tpu.core_type<tc>, window_params = [{transform_indices = @transform_0, window_bounds = array<i64: 1000, 128>}, {transform_indices = @transform_1, window_bounds = array<i64: 1000, 128>}, {transform_indices = @transform_2, window_bounds = array<i64: 1000, 128>}, {pipeline_mode = #tpu.pipeline_mode<synchronous>, transform_indices = @transform_3, window_bounds = array<i64: 128, 128>}, {pipeline_mode = #tpu.pipeline_mode<synchronous>, transform_indices = @transform_4, window_bounds = array<i64: 1, 128>}, {pipeline_mode = #tpu.pipeline_mode<synchronous>, transform_indices = @transform_5, window_bounds = array<i64: 128, 128>}, {pipeline_mode = #tpu.pipeline_mode<synchronous>, transform_indices = @transform_6, window_bounds = array<i64: 1, 128>}, {transform_indices = @transform_7, window_bounds = array<i64: 1000, 128>}]} {
    %get3A = arith.constant 0 : index
    %get3A_0 = arith.constant 0 : index
    %get3A_1 = vector.load %arg1[%get3A, %get3A_0] : memref<1000x128xf32, #tpu.memory_space<vmem>>, vector<1000x128xf32>
    %get3A_2 = arith.constant 0 : index
    %get3A_3 = arith.constant 0 : index
    %get3A_4 = vector.load %arg2[%get3A_2, %get3A_3] : memref<1000x128xf32, #tpu.memory_space<vmem>>, vector<1000x128xf32>
    %add3A = arith.addf %get3A_1, %get3A_4 : vector<1000x128xf32>
    %get3A_5 = arith.constant 0 : index
    %get3A_6 = arith.constant 0 : index
    %get3A_7 = vector.load %arg3[%get3A_5, %get3A_6] : memref<1000x128xf32, #tpu.memory_space<vmem>>, vector<1000x128xf32>
    %add3A_8 = arith.addf %add3A, %get3A_7 : vector<1000x128xf32>
    %get3A_9 = arith.constant 0 : index
    %get3A_10 = arith.constant 0 : index
    %get3A_11 = vector.load %arg4[%get3A_9, %get3A_10] : memref<128x128xf32, #tpu.memory_space<vmem>>, vector<128x128xf32>
    %dot_general3A = arith.constant dense<0.000000e+00> : vector<1000x128xf32>
    %dot_general3A_12 = tpu.matmul %add3A_8, %get3A_11, %dot_general3A {dimension_numbers = #tpu.dot_dimension_numbers<[1], [0], [0], [1], [0, 0, 1, 1], [], []>, transpose_lhs_hint = false} : vector<1000x128xf32>, vector<128x128xf32>, vector<1000x128xf32> -> vector<1000x128xf32>
    %get3A_13 = arith.constant 0 : index
    %get3A_14 = arith.constant 0 : index
    %get3A_15 = vector.load %arg5[%get3A_13, %get3A_14] : memref<1x128xf32, #tpu.memory_space<vmem>>, vector<1x128xf32>
    %add3A_16 = vector.broadcast %get3A_15 : vector<1x128xf32> to vector<1000x128xf32>
    %add3A_17 = arith.addf %dot_general3A_12, %add3A_16 : vector<1000x128xf32>
    %max3A = arith.constant 0.000000e+00 : f32
    %max3A_18 = vector.broadcast %max3A : f32 to vector<1000x128xf32>
    %max3A_19 = arith.maximumf %add3A_17, %max3A_18 : vector<1000x128xf32>
    %get3A_20 = arith.constant 0 : index
    %get3A_21 = arith.constant 0 : index
    %get3A_22 = vector.load %arg6[%get3A_20, %get3A_21] : memref<128x128xf32, #tpu.memory_space<vmem>>, vector<128x128xf32>
    %dot_general3A_23 = arith.constant dense<0.000000e+00> : vector<1000x128xf32>
    %dot_general3A_24 = tpu.matmul %max3A_19, %get3A_22, %dot_general3A_23 {dimension_numbers = #tpu.dot_dimension_numbers<[1], [0], [0], [1], [0, 0, 1, 1], [], []>, transpose_lhs_hint = false} : vector<1000x128xf32>, vector<128x128xf32>, vector<1000x128xf32> -> vector<1000x128xf32>
    %get3A_25 = arith.constant 0 : index
    %get3A_26 = arith.constant 0 : index
    %get3A_27 = vector.load %arg7[%get3A_25, %get3A_26] : memref<1x128xf32, #tpu.memory_space<vmem>>, vector<1x128xf32>
    %add3A_28 = vector.broadcast %get3A_27 : vector<1x128xf32> to vector<1000x128xf32>
    %add3A_29 = arith.addf %dot_general3A_24, %add3A_28 : vector<1000x128xf32>
    %max3A_30 = arith.constant 0.000000e+00 : f32
    %max3A_31 = vector.broadcast %max3A_30 : f32 to vector<1000x128xf32>
    %max3A_32 = arith.maximumf %add3A_29, %max3A_31 : vector<1000x128xf32>
    %swap3A = arith.constant 0 : index
    %swap3A_33 = arith.constant 0 : index
    %swap3A_34 = vector.load %arg8[%swap3A, %swap3A_33] : memref<1000x128xf32, #tpu.memory_space<vmem>>, vector<1000x128xf32>
    tpu.vector_store %arg8[%swap3A, %swap3A_33], %max3A_32 {strides = array<i32>} : memref<1000x128xf32, #tpu.memory_space<vmem>>, vector<1000x128xf32>,
    return
  }
  func.func @transform_0(%arg0: i32) -> (i32, i32) {
    %c0_i32 = arith.constant 0 : i32
    %c0_i32_0 = arith.constant 0 : i32
    return %arg0, %c0_i32 : i32, i32
  }
  func.func @transform_1(%arg0: i32) -> (i32, i32) {
    %c0_i32 = arith.constant 0 : i32
    %c0_i32_0 = arith.constant 0 : i32
    return %arg0, %c0_i32 : i32, i32
  }
  func.func @transform_2(%arg0: i32) -> (i32, i32) {
    %c0_i32 = arith.constant 0 : i32
    %c0_i32_0 = arith.constant 0 : i32
    return %arg0, %c0_i32 : i32, i32
  }
  func.func @transform_3(%arg0: i32) -> (i32, i32) {
    %c0_i32 = arith.constant 0 : i32
    %c0_i32_0 = arith.constant 0 : i32
    %c0_i32_1 = arith.constant 0 : i32
    return %c0_i32, %c0_i32_0 : i32, i32
  }
  func.func @transform_4(%arg0: i32) -> (i32, i32) {
    %c0_i32 = arith.constant 0 : i32
    %c0_i32_0 = arith.constant 0 : i32
    %c0_i32_1 = arith.constant 0 : i32
    return %c0_i32, %c0_i32_0 : i32, i32
  }
  func.func @transform_5(%arg0: i32) -> (i32, i32) {
    %c0_i32 = arith.constant 0 : i32
    %c0_i32_0 = arith.constant 0 : i32
    %c0_i32_1 = arith.constant 0 : i32
    return %c0_i32, %c0_i32_0 : i32, i32
  }
  func.func @transform_6(%arg0: i32) -> (i32, i32) {
    %c0_i32 = arith.constant 0 : i32
    %c0_i32_0 = arith.constant 0 : i32
    %c0_i32_1 = arith.constant 0 : i32
    return %c0_i32, %c0_i32_0 : i32, i32
  }
  func.func @transform_7(%arg0: i32) -> (i32, i32) {
    %c0_i32 = arith.constant 0 : i32
    %c0_i32_0 = arith.constant 0 : i32
    return %arg0, %c0_i32 : i32, i32
  }
}

module attributes {stable_mosaic.version = 14 : i64} {
  func.func @_mlp_body(%arg0: i32, %arg1: memref<1000x128xf32, #tpu.memory_space<vmem>>, %arg2: memref<1000x128xf32, #tpu.memory_space<vmem>>, %arg3: memref<1000x128xf32, #tpu.memory_space<vmem>>, %arg4: memref<128x128xf32, #tpu.memory_space<vmem>>, %arg5: memref<1x128xf32, #tpu.memory_space<vmem>>, %arg6: memref<128x128xf32, #tpu.memory_space<vmem>>, %arg7: memref<1x128xf32, #tpu.memory_space<vmem>>, %arg8: memref<1000x128xf32, #tpu.memory_space<vmem>>) attributes {dimension_semantics = [#tpu.dimension_semantics<arbitrary>], iteration_bounds = array<i64: 10>, scalar_prefetch = 0 : i64, scratch_operands = 0 : i64, tpu.core_type = #tpu.core_type<tc>, window_params = [{transform_indices = @transform_0, window_bounds = array<i64: 1000, 128>}, {transform_indices = @transform_1, window_bounds = array<i64: 1000, 128>}, {transform_indices = @transform_2, window_bounds = array<i64: 1000, 128>}, {pipeline_mode = #tpu.pipeline_mode<synchronous>, transform_indices = @transform_3, window_bounds = array<i64: 128, 128>}, {pipeline_mode = #tpu.pipeline_mode<synchronous>, transform_indices = @transform_4, window_bounds = array<i64: 1, 128>}, {pipeline_mode = #tpu.pipeline_mode<synchronous>, transform_indices = @transform_5, window_bounds = array<i64: 128, 128>}, {pipeline_mode = #tpu.pipeline_mode<synchronous>, transform_indices = @transform_6, window_bounds = array<i64: 1, 128>}, {transform_indices = @transform_7, window_bounds = array<i64: 1000, 128>}]} {
    %get3A = arith.constant 0 : index
    %get3A_0 = arith.constant 0 : index
    %get3A_1 = vector.load %arg1[%get3A, %get3A_0] : memref<1000x128xf32, #tpu.memory_space<vmem>>, vector<1000x128xf32>
    %get3A_2 = arith.constant 0 : index
    %get3A_3 = arith.constant 0 : index
    %get3A_4 = vector.load %arg2[%get3A_2, %get3A_3] : memref<1000x128xf32, #tpu.memory_space<vmem>>, vector<1000x128xf32>
    %add3A = arith.addf %get3A_1, %get3A_4 : vector<1000x128xf32>
    %get3A_5 = arith.constant 0 : index
    %get3A_6 = arith.constant 0 : index
    %get3A_7 = vector.load %arg3[%get3A_5, %get3A_6] : memref<1000x128xf32, #tpu.memory_space<vmem>>, vector<1000x128xf32>
    %add3A_8 = arith.addf %add3A, %get3A_7 : vector<1000x128xf32>
    %get3A_9 = arith.constant 0 : index
    %get3A_10 = arith.constant 0 : index
    %get3A_11 = vector.load %arg4[%get3A_9, %get3A_10] : memref<128x128xf32, #tpu.memory_space<vmem>>, vector<128x128xf32>
    %dot_general3A = arith.constant dense<0.000000e+00> : vector<1000x128xf32>
    %dot_general3A_12 = tpu.matmul %add3A_8, %get3A_11, %dot_general3A {dimension_numbers = #tpu.dot_dimension_numbers<[1], [0], [0], [1], [0, 0, 1, 1], [], []>, transpose_lhs_hint = false} : vector<1000x128xf32>, vector<128x128xf32>, vector<1000x128xf32> -> vector<1000x128xf32>
    %get3A_13 = arith.constant 0 : index
    %get3A_14 = arith.constant 0 : index
    %get3A_15 = vector.load %arg5[%get3A_13, %get3A_14] : memref<1x128xf32, #tpu.memory_space<vmem>>, vector<1x128xf32>
    %add3A_16 = vector.broadcast %get3A_15 : vector<1x128xf32> to vector<1000x128xf32>
    %add3A_17 = arith.addf %dot_general3A_12, %add3A_16 : vector<1000x128xf32>
    %max3A = arith.constant 0.000000e+00 : f32
    %max3A_18 = vector.broadcast %max3A : f32 to vector<1000x128xf32>
    %max3A_19 = arith.maximumf %add3A_17, %max3A_18 : vector<1000x128xf32>
    %get3A_20 = arith.constant 0 : index
    %get3A_21 = arith.constant 0 : index
    %get3A_22 = vector.load %arg6[%get3A_20, %get3A_21] : memref<128x128xf32, #tpu.memory_space<vmem>>, vector<128x128xf32>
    %dot_general3A_23 = arith.constant dense<0.000000e+00> : vector<1000x128xf32>
    %dot_general3A_24 = tpu.matmul %max3A_19, %get3A_22, %dot_general3A_23 {dimension_numbers = #tpu.dot_dimension_numbers<[1], [0], [0], [1], [0, 0, 1, 1], [], []>, transpose_lhs_hint = false} : vector<1000x128xf32>, vector<128x128xf32>, vector<1000x128xf32> -> vector<1000x128xf32>
    %get3A_25 = arith.constant 0 : index
    %get3A_26 = arith.constant 0 : index
    %get3A_27 = vector.load %arg7[%get3A_25, %get3A_26] : memref<1x128xf32, #tpu.memory_space<vmem>>, vector<1x128xf32>
    %add3A_28 = vector.broadcast %get3A_27 : vector<1x128xf32> to vector<1000x128xf32>
    %add3A_29 = arith.addf %dot_general3A_24, %add3A_28 : vector<1000x128xf32>
    %swap3A = arith.constant 0 : index
    %swap3A_30 = arith.constant 0 : index
    %swap3A_31 = vector.load %arg8[%swap3A, %swap3A_30] : memref<1000x128xf32, #tpu.memory_space<vmem>>, vector<1000x128xf32>
    tpu.vector_store %arg8[%swap3A, %swap3A_30], %add3A_29 {strides = array<i32>} : memref<1000x128xf32, #tpu.memory_space<vmem>>, vector<1000x128xf32>,
    return
  }
  func.func @transform_0(%arg0: i32) -> (i32, i32) {
    %c0_i32 = arith.constant 0 : i32
    %c0_i32_0 = arith.constant 0 : i32
    return %arg0, %c0_i32 : i32, i32
  }
  func.func @transform_1(%arg0: i32) -> (i32, i32) {
    %c0_i32 = arith.constant 0 : i32
    %c0_i32_0 = arith.constant 0 : i32
    return %arg0, %c0_i32 : i32, i32
  }
  func.func @transform_2(%arg0: i32) -> (i32, i32) {
    %c0_i32 = arith.constant 0 : i32
    %c0_i32_0 = arith.constant 0 : i32
    return %arg0, %c0_i32 : i32, i32
  }
  func.func @transform_3(%arg0: i32) -> (i32, i32) {
    %c0_i32 = arith.constant 0 : i32
    %c0_i32_0 = arith.constant 0 : i32
    %c0_i32_1 = arith.constant 0 : i32
    return %c0_i32, %c0_i32_0 : i32, i32
  }
  func.func @transform_4(%arg0: i32) -> (i32, i32) {
    %c0_i32 = arith.constant 0 : i32
    %c0_i32_0 = arith.constant 0 : i32
    %c0_i32_1 = arith.constant 0 : i32
    return %c0_i32, %c0_i32_0 : i32, i32
  }
  func.func @transform_5(%arg0: i32) -> (i32, i32) {
    %c0_i32 = arith.constant 0 : i32
    %c0_i32_0 = arith.constant 0 : i32
    %c0_i32_1 = arith.constant 0 : i32
    return %c0_i32, %c0_i32_0 : i32, i32
  }
  func.func @transform_6(%arg0: i32) -> (i32, i32) {
    %c0_i32 = arith.constant 0 : i32
    %c0_i32_0 = arith.constant 0 : i32
    %c0_i32_1 = arith.constant 0 : i32
    return %c0_i32, %c0_i32_0 : i32, i32
  }
  func.func @transform_7(%arg0: i32) -> (i32, i32) {
    %c0_i32 = arith.constant 0 : i32
    %c0_i32_0 = arith.constant 0 : i32
    return %arg0, %c0_i32 : i32, i32
  }
}

module attributes {stable_mosaic.version = 14 : i64} {
  func.func @_readout_body(%arg0: i32, %arg1: memref<1000x128xf32, #tpu.memory_space<vmem>>, %arg2: memref<1x1x1000xi32, #tpu.memory_space<vmem>>, %arg3: memref<128x128xf32, #tpu.memory_space<vmem>>, %arg4: memref<1x128xf32, #tpu.memory_space<vmem>>, %arg5: memref<128x128xf32, #tpu.memory_space<vmem>>, %arg6: memref<1x128xf32, #tpu.memory_space<vmem>>, %arg7: memref<64x128xf32, #tpu.memory_space<vmem>>, %arg8: memref<64x128xf32, #tpu.memory_space<vmem>>) attributes {dimension_semantics = [#tpu.dimension_semantics<arbitrary>], iteration_bounds = array<i64: 10>, scalar_prefetch = 0 : i64, scratch_operands = 1 : i64, tpu.core_type = #tpu.core_type<tc>, window_params = [{transform_indices = @transform_0, window_bounds = array<i64: 1000, 128>}, {transform_indices = @transform_1, window_bounds = array<i64: 1, 1, 1000>}, {pipeline_mode = #tpu.pipeline_mode<synchronous>, transform_indices = @transform_2, window_bounds = array<i64: 128, 128>}, {pipeline_mode = #tpu.pipeline_mode<synchronous>, transform_indices = @transform_3, window_bounds = array<i64: 1, 128>}, {pipeline_mode = #tpu.pipeline_mode<synchronous>, transform_indices = @transform_4, window_bounds = array<i64: 128, 128>}, {pipeline_mode = #tpu.pipeline_mode<synchronous>, transform_indices = @transform_5, window_bounds = array<i64: 1, 128>}, {pipeline_mode = #tpu.pipeline_mode<synchronous>, transform_indices = @transform_6, window_bounds = array<i64: 64, 128>}]} {
    %eq3A = arith.constant 0 : i32
    %eq3A_0 = arith.cmpi eq, %arg0, %eq3A : i32
    %convert_element_type3A = arith.extui %eq3A_0 : i1 to i32
    %cond3A = arith.constant 0 : i32
    %cond3A_1 = arith.cmpi ne, %convert_element_type3A, %cond3A : i32
    scf.if %cond3A_1 {
      %broadcast_in_dim3A_24 = arith.constant 0.000000e+00 : f32
      %broadcast_in_dim3A_25 = vector.broadcast %broadcast_in_dim3A_24 : f32 to vector<64x128xf32>
      %swap3A_26 = arith.constant 0 : index
      %swap3A_27 = arith.constant 0 : index
      %swap3A_28 = vector.load %arg8[%swap3A_26, %swap3A_27] : memref<64x128xf32, #tpu.memory_space<vmem>>, vector<64x128xf32>
      tpu.vector_store %arg8[%swap3A_26, %swap3A_27], %broadcast_in_dim3A_25 {strides = array<i32>} : memref<64x128xf32, #tpu.memory_space<vmem>>, vector<64x128xf32>,
    } else {
    }
    %get3A = arith.constant 0 : index
    %get3A_2 = arith.constant 0 : index
    %get3A_3 = arith.constant 0 : index
    %get3A_4 = vector.load %arg2[%get3A, %get3A_2, %get3A_3] : memref<1x1x1000xi32, #tpu.memory_space<vmem>>, vector<1x1x1000xi32>
    %get3A_5 = vector.shape_cast %get3A_4 : vector<1x1x1000xi32> to vector<1000xi32>
    %broadcast_in_dim3A = vector.shape_cast %get3A_5 : vector<1000xi32> to vector<1000x1xi32>
    %iota3A = tpu.iota {dimensions = array<i32: 1>} : vector<1000x64xi32>
    %eq3A_6 = vector.broadcast %broadcast_in_dim3A : vector<1000x1xi32> to vector<1000x64xi32>
    %eq3A_7 = arith.cmpi eq, %eq3A_6, %iota3A : vector<1000x64xi32>
    %convert_element_type3A_8 = arith.extui %eq3A_7 : vector<1000x64xi1> to vector<1000x64xi32>
    %convert_element_type3A_9 = arith.sitofp %convert_element_type3A_8 : vector<1000x64xi32> to vector<1000x64xf32>
    %get3A_10 = arith.constant 0 : index
    %get3A_11 = arith.constant 0 : index
    %get3A_12 = vector.load %arg8[%get3A_10, %get3A_11] : memref<64x128xf32, #tpu.memory_space<vmem>>, vector<64x128xf32>
    %get3A_13 = arith.constant 0 : index
    %get3A_14 = arith.constant 0 : index
    %get3A_15 = vector.load %arg1[%get3A_13, %get3A_14] : memref<1000x128xf32, #tpu.memory_space<vmem>>, vector<1000x128xf32>
    %dot_general3A = arith.constant dense<0.000000e+00> : vector<64x128xf32>
    %dot_general3A_16 = tpu.matmul %convert_element_type3A_9, %get3A_15, %dot_general3A {dimension_numbers = #tpu.dot_dimension_numbers<[0], [0], [1], [1], [0, 1, 1, 1], [], []>, transpose_lhs_hint = false} : vector<1000x64xf32>, vector<1000x128xf32>, vector<64x128xf32> -> vector<64x128xf32>
    %add3A = arith.addf %get3A_12, %dot_general3A_16 : vector<64x128xf32>
    %swap3A = arith.constant 0 : index
    %swap3A_17 = arith.constant 0 : index
    %swap3A_18 = vector.load %arg8[%swap3A, %swap3A_17] : memref<64x128xf32, #tpu.memory_space<vmem>>, vector<64x128xf32>
    tpu.vector_store %arg8[%swap3A, %swap3A_17], %add3A {strides = array<i32>} : memref<64x128xf32, #tpu.memory_space<vmem>>, vector<64x128xf32>,
    %eq3A_19 = arith.constant 9 : i32
    %eq3A_20 = arith.cmpi eq, %arg0, %eq3A_19 : i32
    %convert_element_type3A_21 = arith.extui %eq3A_20 : i1 to i32
    %cond3A_22 = arith.constant 0 : i32
    %cond3A_23 = arith.cmpi ne, %convert_element_type3A_21, %cond3A_22 : i32
    scf.if %cond3A_23 {
      %get3A_24 = arith.constant 0 : index
      %get3A_25 = arith.constant 0 : index
      %get3A_26 = vector.load %arg8[%get3A_24, %get3A_25] : memref<64x128xf32, #tpu.memory_space<vmem>>, vector<64x128xf32>
      %get3A_27 = arith.constant 0 : index
      %get3A_28 = arith.constant 0 : index
      %get3A_29 = vector.load %arg3[%get3A_27, %get3A_28] : memref<128x128xf32, #tpu.memory_space<vmem>>, vector<128x128xf32>
      %dot_general3A_30 = arith.constant dense<0.000000e+00> : vector<64x128xf32>
      %dot_general3A_31 = tpu.matmul %get3A_26, %get3A_29, %dot_general3A_30 {dimension_numbers = #tpu.dot_dimension_numbers<[1], [0], [0], [1], [0, 0, 1, 1], [], []>, transpose_lhs_hint = false} : vector<64x128xf32>, vector<128x128xf32>, vector<64x128xf32> -> vector<64x128xf32>
      %get3A_32 = arith.constant 0 : index
      %get3A_33 = arith.constant 0 : index
      %get3A_34 = vector.load %arg4[%get3A_32, %get3A_33] : memref<1x128xf32, #tpu.memory_space<vmem>>, vector<1x128xf32>
      %add3A_35 = vector.broadcast %get3A_34 : vector<1x128xf32> to vector<64x128xf32>
      %add3A_36 = arith.addf %dot_general3A_31, %add3A_35 : vector<64x128xf32>
      %max3A = arith.constant 0.000000e+00 : f32
      %max3A_37 = vector.broadcast %max3A : f32 to vector<64x128xf32>
      %max3A_38 = arith.maximumf %add3A_36, %max3A_37 : vector<64x128xf32>
      %get3A_39 = arith.constant 0 : index
      %get3A_40 = arith.constant 0 : index
      %get3A_41 = vector.load %arg5[%get3A_39, %get3A_40] : memref<128x128xf32, #tpu.memory_space<vmem>>, vector<128x128xf32>
      %dot_general3A_42 = arith.constant dense<0.000000e+00> : vector<64x128xf32>
      %dot_general3A_43 = tpu.matmul %max3A_38, %get3A_41, %dot_general3A_42 {dimension_numbers = #tpu.dot_dimension_numbers<[1], [0], [0], [1], [0, 0, 1, 1], [], []>, transpose_lhs_hint = false} : vector<64x128xf32>, vector<128x128xf32>, vector<64x128xf32> -> vector<64x128xf32>
      %get3A_44 = arith.constant 0 : index
      %get3A_45 = arith.constant 0 : index
      %get3A_46 = vector.load %arg6[%get3A_44, %get3A_45] : memref<1x128xf32, #tpu.memory_space<vmem>>, vector<1x128xf32>
      %add3A_47 = vector.broadcast %get3A_46 : vector<1x128xf32> to vector<64x128xf32>
      %add3A_48 = arith.addf %dot_general3A_43, %add3A_47 : vector<64x128xf32>
      %swap3A_49 = arith.constant 0 : index
      %swap3A_50 = arith.constant 0 : index
      %swap3A_51 = vector.load %arg7[%swap3A_49, %swap3A_50] : memref<64x128xf32, #tpu.memory_space<vmem>>, vector<64x128xf32>
      tpu.vector_store %arg7[%swap3A_49, %swap3A_50], %add3A_48 {strides = array<i32>} : memref<64x128xf32, #tpu.memory_space<vmem>>, vector<64x128xf32>,
    } else {
    }
    return
  }
  func.func @transform_0(%arg0: i32) -> (i32, i32) {
    %c0_i32 = arith.constant 0 : i32
    %c0_i32_0 = arith.constant 0 : i32
    return %arg0, %c0_i32 : i32, i32
  }
  func.func @transform_1(%arg0: i32) -> (i32, i32, i32) {
    %c0_i32 = arith.constant 0 : i32
    %c0_i32_0 = arith.constant 0 : i32
    %c0_i32_1 = arith.constant 0 : i32
    return %arg0, %c0_i32, %c0_i32_0 : i32, i32, i32
  }
  func.func @transform_2(%arg0: i32) -> (i32, i32) {
    %c0_i32 = arith.constant 0 : i32
    %c0_i32_0 = arith.constant 0 : i32
    %c0_i32_1 = arith.constant 0 : i32
    return %c0_i32, %c0_i32_0 : i32, i32
  }
  func.func @transform_3(%arg0: i32) -> (i32, i32) {
    %c0_i32 = arith.constant 0 : i32
    %c0_i32_0 = arith.constant 0 : i32
    %c0_i32_1 = arith.constant 0 : i32
    return %c0_i32, %c0_i32_0 : i32, i32
  }
  func.func @transform_4(%arg0: i32) -> (i32, i32) {
    %c0_i32 = arith.constant 0 : i32
    %c0_i32_0 = arith.constant 0 : i32
    %c0_i32_1 = arith.constant 0 : i32
    return %c0_i32, %c0_i32_0 : i32, i32
  }
  func.func @transform_5(%arg0: i32) -> (i32, i32) {
    %c0_i32 = arith.constant 0 : i32
    %c0_i32_0 = arith.constant 0 : i32
    %c0_i32_1 = arith.constant 0 : i32
    return %c0_i32, %c0_i32_0 : i32, i32
  }
  func.func @transform_6(%arg0: i32) -> (i32, i32) {
    %c0_i32 = arith.constant 0 : i32
    %c0_i32_0 = arith.constant 0 : i32
    %c0_i32_1 = arith.constant 0 : i32
    return %c0_i32, %c0_i32_0 : i32, i32
  }
}

</mosaic_0001>

<sc_bundles>
// kernel: kernel.10.cloned.1.call-start
scs
__scs_entry_jumppad:
0x0: {  	(pc) =	sbr.rel $0x88, $3  }
0x1: {  	(tag) =	ssettag $0x0;
	lr =	simm.s32 $0x1  }
0x2: {  	[smem:$0x3F8C] =	sst lr;
	_ =	strace $0xD0000000  }
0x3: {  	_ = 	snop  }
0x4: {  	_ = 	snop  }
0x5: {  	_ = 	snop  }
0x6: {  	_ = 	snop  }
0x7: {  	_ = 	snop  }
__scs_overlays_trampoline_lowered:
0x8: {  	[smem:$0x3F9B] =	sst s0  }
0x9: {  	[smem:$0x3F9C] =	sst s1  }
0xa: {  	[smem:$0x3F9D] =	sst s2  }
0xb: {  	[smem:$0x3F9E] =	sst s3  }
0xc: {  	[smem:$0x3F9F] =	sst s4  }
0xd: {  	[smem:$0x3FA0] =	sst s5  }
0xe: {  	[smem:$0x3FA1] =	sst s6  }
0xf: {  	[smem:$0x3FA2] =	sst s7  }
0x10: {  	[smem:$0x3FA3] =	sst s8  }
0x11: {  	[smem:$0x3FA4] =	sst s9;
	s0 =	simm.s32 @!p0 $0x0  }
0x12: {  	s1 =	sld [smem:$0x3F8A];
	s0 =	simm.s32 @p0 $0x1  }
0x13: {  	[smem:$0x3FA5] =	sst s0;
	s0 =	simm.s32 @!p1 $0x0  }
0x14: {  	s2 =	sld [smem:$0x3F89];
	s0 =	simm.s32 @p1 $0x1  }
0x15: {  	[smem:$0x3FA6] =	sst s0;
	s0 =	simm.s32 @!p2 $0x0  }
0x16: {  	s3 =	sld [smem:$0x3FDB];
	s0 =	simm.s32 @p2 $0x1  }
0x17: {  	s4 =	simm.s32 $0x1BF5;
	[smem:$0x3FA8] =	sst s0  }
0x18: {  	s0 =	sld [smem:$0x3F8B];
	_ =	swait.ge [sflag:s4], $0x0  }
0x19: {  	s7 =	sld [smem:$0x3F8C]  }
0x1a: {  	s8 =	sadd.s32 $0xFFFFE003, lr  }
0x1b: {  	s9 =	sadd.s32 $0xFFFFFEF7, lr;
	s5 =	simm.s32 $0xFFFFFFFF;
	p2 =	slt.u32 s8, $0xFFFFF086  }
0x1c: {  	p1 =	slt.u32 s9, $0xF7A;
	s5 =	simm.s32 @!p2 $0x0  }
0x1d: {  	s5 =	simm.s32 @p1 $0x1;
	p0 =	seq.s32 s7, s2  }
0x1e: {  	s7 =	smul.u32 @!p0 $0xF7A, s2;
	p2 =	seq.s32 @!p0 s5, $0x0  }
0x1f: {  	s9 =	smul.u32 $0xF7A, s1;
	s8 =	simm.s32 @!p0 $0x1BF5;
	p2 =	por !p2, p0  }
0x20: {  	[sflag:s8] =	ssyncset.s32 @!p0 $0xFFFFF086;
	s6 =	sadd.s32 @!p0 s3, s7;
	s7 =	simm.s32 @!p0 $0x108  }
0x21: {  	s3 =	sadd.s32 s3, s9;
	s6 =	sadd.s32 @!p0 $0x88, s6;
	s7 =	simm.s32 @p2 $0x1082  }
0x22: {  	[simem:s7], [sflag:s8] =	dma.local @!p0 [hbm:s6], $0xF7A  }
0x23: {  	s9 =	sor.u32 $0xD0000000, s2;
	s6 =	simm.s32 $0x108;
	_ =	swait.ge @!p0 [sflag:s8], $0x0  }
0x24: {  	s3 =	sadd.s32 $0x88, s3;
	s6 =	simm.s32 @!p1 $0x1082;
	[sflag:s4] =	ssyncset.s32 $0xFFFFF086  }
0x25: {  	[simem:s6], [sflag:s4] =	dma.local [hbm:s3], $0xF7A  }
0x26: {  	[smem:$0x3F8C] =	sst s1;
	(tag) =	ssettag s2;
	_ =	strace s9  }
0x27: {  	s1 =	sld [smem:$0x3F9C]  }
0x28: {  	s2 =	sld [smem:$0x3F9D]  }
0x29: {  	s4 =	sld [smem:$0x3F9F]  }
0x2a: {  	p0 =	seq.s32 s5, $0x0;
	s5 =	sld [smem:$0x3FA0]  }
0x2b: {  	s6 =	sld [smem:$0x3FA1]  }
0x2c: {  	s7 =	sld [smem:$0x3FA2]  }
0x2d: {  	s3 =	simm.s32 $0x108;
	s8 =	sld [smem:$0x3FA3]  }
0x2e: {  	s3 =	simm.s32 @!p0 $0x1082;
	s9 =	sld [smem:$0x3FA4]  }
0x2f: {  	lr =	sadd.s32 s0, s3;
	s0 =	sld [smem:$0x3F9B]  }
0x30: {  	s3 =	sld [smem:$0x3F9E]  }
0x31: {  	[smem:$0x3FA7] =	sst s10  }
0x32: {  	s10 =	sld [smem:$0x3FA5];
	_ =	sdelay $0x3  }
0x33: {  	p0 =	seq.s32 s10, $0x1;
	s10 =	sld [smem:$0x3FA7];
	_ =	sdelay $0x3  }
0x34: {  	[smem:$0x3FA7] =	sst s10  }
0x35: {  	s10 =	sld [smem:$0x3FA6];
	_ =	sdelay $0x3  }
0x36: {  	p1 =	seq.s32 s10, $0x1;
	s10 =	sld [smem:$0x3FA7];
	_ =	sdelay $0x3  }
0x37: {  	[smem:$0x3FA7] =	sst s10  }
0x38: {  	s10 =	sld [smem:$0x3FA8]  }
0x39: {  	_ = 	snop;
	(pc) =	sbr.ind lr, $3  }
0x3a: {  	_ = 	snop  }
0x3b: {  	_ = 	snop  }
0x3c: {  	p2 =	seq.s32 s10, $0x1;
	s10 =	sld [smem:$0x3FA7]  }
0x3d: {  	_ =	shalt  }
0x3e: {  	_ =	shalt  }
0x3f: {  	_ =	shalt  }
0x40: {  	_ =	shalt  }
0x41: {  	_ =	shalt  }
0x42: {  	_ =	shalt  }
0x43: {  	_ =	shalt  }
0x44: {  	_ =	shalt  }
0x45: {  	_ =	shalt  }
0x46: {  	_ =	shalt  }
0x47: {  	_ =	shalt  }
0x48: {  	_ =	shalt  }
0x49: {  	_ =	shalt  }
0x4a: {  	_ =	shalt  }
0x4b: {  	_ =	shalt  }
0x4c: {  	_ =	shalt  }
0x4d: {  	_ =	shalt  }
0x4e: {  	_ =	shalt  }
0x4f: {  	_ =	shalt  }
0x50: {  	_ =	shalt  }
0x51: {  	_ =	shalt  }
0x52: {  	_ =	shalt  }
0x53: {  	_ =	shalt  }
0x54: {  	_ =	shalt  }
0x55: {  	_ =	shalt  }
0x56: {  	_ =	shalt  }
0x57: {  	_ =	shalt  }
0x58: {  	_ =	shalt  }
0x59: {  	_ =	shalt  }
0x5a: {  	_ =	shalt  }
0x5b: {  	_ =	shalt  }
0x5c: {  	_ =	shalt  }
0x5d: {  	_ =	shalt  }
0x5e: {  	_ =	shalt  }
0x5f: {  	_ =	shalt  }
0x60: {  	_ =	shalt  }
0x61: {  	_ =	shalt  }
0x62: {  	_ =	shalt  }
0x63: {  	_ =	shalt  }
0x64: {  	_ =	shalt  }
0x65: {  	_ =	shalt  }
0x66: {  	_ =	shalt  }
0x67: {  	_ =	shalt  }
0x68: {  	_ =	shalt  }
0x69: {  	_ =	shalt  }
0x6a: {  	_ =	shalt  }
0x6b: {  	_ =	shalt  }
0x6c: {  	_ =	shalt  }
0x6d: {  	_ =	shalt  }
0x6e: {  	_ =	shalt  }
0x6f: {  	_ =	shalt  }
0x70: {  	_ =	shalt  }
0x71: {  	_ =	shalt  }
0x72: {  	_ =	shalt  }
0x73: {  	_ =	shalt  }
0x74: {  	_ =	shalt  }
0x75: {  	_ =	shalt  }
0x76: {  	_ =	shalt  }
0x77: {  	_ =	shalt  }
0x78: {  	_ =	shalt  }
0x79: {  	_ =	shalt  }
0x7a: {  	_ =	shalt  }
0x7b: {  	_ =	shalt  }
0x7c: {  	_ =	shalt  }
0x7d: {  	_ =	shalt  }
0x7e: {  	_ =	shalt  }
0x7f: {  	_ =	shalt  }
0x80: {  	_ =	shalt  }
0x81: {  	_ =	shalt  }
0x82: {  	_ =	shalt  }
0x83: {  	_ =	shalt  }
0x84: {  	_ =	shalt  }
0x85: {  	_ =	shalt  }
0x86: {  	_ =	shalt  }
0x87: {  	_ =	shalt  }
.Lfunc_end0:
.L_simem_size_0:
called_computation_lowered:
.L_overlay_start_0:
0x88: {  	s2 =	sld [smem:$0x3FD9]  }
0x89: {  	s3 =	sld [smem:$0x3FFE];
	_ =	sdelay $0x1  }
0x8a: {  	s1 =	srdreg.scid  }
0x8b: {  	s0 =	sand.u32 $0x1, s1  }
0x8c: {  	s16 =	sshll.u32 s0, $0xA;
	s2 =	sadd.s32 s3, s2  }
0x8d: {  	s2 =	sadd.s32 s2, s16  }
0x8e: {  	[smem:$0x3FB3] =	sst s2  }
0x8f: {  	_ = 	snop  }
0x90: {  	(tm) =	ssettm $0x1  }
0x91: {  	s17 =	sld [smem:$0x3FFB];
	_ =	sdelay $0x3  }
0x92: {  	_ =	strace s17  }
0x93: {  	s2 =	sld [smem:$0x3FFC];
	_ =	sdelay $0x3  }
0x94: {  	_ =	strace s2  }
0x95: {  	s2 =	sld [smem:$0x3FFD];
	_ =	sdelay $0x3  }
0x96: {  	_ =	strace s2  }
0x97: {  	_ =	strace $0x8FFFFFFF  }
0x98: {  	s18 =	sld [smem:$0x3FDB];
	_ =	sdelay $0x1  }
0x99: {  	s19 =	simm.s32 $_scs_section_size  }
0x9a: {  	s4 =	simm.s32 $_size__tile_overlayer_lowered;
	s5 =	simm.s32 $_tile_overlayer_lowered  }
0x9b: {  	s22 =	simm.s32 $0x1BFF;
	s21 =	sshll.u32 s5, $0x1;
	s2 =	sadd.s32 s19, s18  }
0x9c: {  	s6 =	simm.s32 $0x0;
	s20 =	sshll.u32 s4, $0x1;
	s4 =	sadd.s32 s21, s2  }
0x9d: {  	[timem:s6], [sflag:s22] =	dma.local [hbm:s4], s20  }
0x9e: {  	_ =	swait.ge [sflag:s22], s20  }
0x9f: {  	s3 =	ssub.s32 $0x0, s20;
	[sflag:s22] =	ssyncset.done $0x0  }
0xa0: {  	[sflag:s22] =	ssyncadd.s32 s3;
	_ =	sdelay $0x1  }
0xa1: {  	s23 =	simm.s32 $0x1B8B  }
0xa2: {  	_ =	swait.ge [sflag:s23], $0x1  }
0xa3: {  	[sflag:s23] =	ssyncset.done $0x0  }
0xa4: {  	s25 =	simm.s32 $0x1B8E;
	s24 =	sld [smem:$0x3FFE];
	[sflag:s23] =	ssyncadd.s32 $0xFFFFFFFF  }
0xa5: {  	s26 =	simm.s32 $execute0_lowered;
	[smem:$0x3FD2] =	sst s25  }
0xa6: {  	s4 =	sshll.u32 s26, $0x1;
	_ =	strace $0x80000046;
	[dreg:$0x1] =	wrdreg $0xFFFFFFFF  }
0xa7: {  	s28 =	simm.s32 $_size_execute0_lowered;
	s2 =	sadd.s32 s2, s4;
	[dreg:$0x0] =	wrdreg $0x0  }
0xa8: {  	s4 =	sshll.u32 s28, $0x1;
	[dreg:$0x2] =	wrdreg s2  }
0xa9: {  	[dreg:$0x3] =	wrdreg s4  }
0xaa: {  	[dreg:$0x4] =	wrdreg $0xC0  }
0xab: {  	_ =	task [dreg:s6], $0x5FFFF  }
0xac: {  	[dreg:$0x1] =	wrdreg $0xFFFFFFFF  }
0xad: {  	[dreg:$0x0] =	wrdreg $0x60  }
0xae: {  	[dreg:$0x2] =	wrdreg s24  }
0xaf: {  	[dreg:$0x3] =	wrdreg $0x0  }
0xb0: {  	[dreg:$0x4] =	wrdreg $0x9  }
0xb1: {  	_ =	task.clear_ibuf [dreg:s6], $0x5FFFF;
	_ =	strace $0x90000046  }
0xb2: {  	s29 =	simm.s32 $0x9;
	_ =	strace $0x80000048  }
0xb3: {  	_ =	swait.ge [sflag:s29], $0x1  }
0xb4: {  	[sflag:s29] =	ssyncadd.s32 $0xFFFFFFFF  }
0xb5: {  	_ =	strace $0x90000048  }
0xb6: {  	_ =	sfence  }
0xb7: {  	s30 =	sld [smem:$0x0];
	_ =	sdelay $0x2  }
0xb8: {  	s31 =	sshll.u32 s1, $0xD;
	s1 =	sshrl.u32 s1, $0x2  }
0xb9: {  	s3 =	sand.u32 $0x4000, s31;
	s1 =	sadd.s32 s1, s30  }
0xba: {  	s0 =	sor.u32 s3, s0;
	s1 =	sshll.u32 s1, $0x11  }
0xbb: {  	s0 =	sor.u32 s1, s0  }
0xbc: {  	s0 =	sadd.s32 $0x8F2B, s0  }
0xbd: {  	[sflag:s0] =	ssyncadd.remote.s32 $0x1  }
0xbe: {  	_ =	sfence.sel $0xFFFF  }
0xbf: {  	[dreg:$0x0] =	wrdreg $0xFFFFFFFF;
	(pc) =	sbr.abs _section_cstart, $3  }
0xc0: {  	[dreg:$0x1] =	wrdreg $0xFFFFFFFF  }
0xc1: {  	_ =	task.clear_ibuf [dreg:s6], $0x2FFFF;
	_ =	strace $0x9FFFFFFF  }
0xc2: {  	(tm) =	ssettm $0x7FFFFFFF  }
0xc3: {  	_ =	shalt  }
tec
execute0_lowered:
.L_overlay_start_1:
0x0: {  	(tag) =	ssettag $0x1  }
0x1: {  	s1 =	srdreg.scid;
	s6 =	rddreg [dreg:$0x0]  }
0x2: {  	s0 =	stileid.u32;
	s2 =	rddreg [dreg:$0x1]  }
0x3: {  	s3 =	simm.s32 $0x0;
	s14 =	simm.s32 $0x16180;
	s15 =	simm.s32 $0x2  }
0x4: {  	s16 =	simm.s32 $0x13880;
	s17 =	simm.s32 $0x13900;
	s18 =	simm.s32 $0x50  }
0x5: {  	s19 =	simm.s32 $0x13980;
	s20 =	simm.s32 $0x1;
	s4 =	smul.u32 $0x4E20, s0  }
0x6: {  	s7 =	sand.u32 $0x1, s1;
	s1 =	rddreg [dreg:$0x2];
	s9 =	smul.u32 $0x4E000, s0  }
0x7: {  	s22 =	simm.s32 $0x0;
	[smem:$0x7FF] =	sst s3;
	s11 =	smul.u32 $0x2700, s0  }
0x8: {  	s12 =	smul.u32 $0x4E200, s0;
	s21 =	sadd.s32 $0x138000, s2;
	p1 =	sne.s32 s0, $0xF  }
0x9: {  	p2 =	seq.s32 s0, $0xF;
	s5 =	smul.u32 $0x2710, s7;
	_ =	strace $0x80000047  }
0xa: {  	s8 =	ssub.s32 $0x2, s7;
	p0 =	seq.s32 s7, $0x1;
	s21 =	sshrl.u32 s21, $0x3  }
0xb: {  	s10 =	sshrl.u32 s8, $0x1;
	s30 =	sshrl.u32 s9, $0x2;
	s31 =	sshrl.u32 s12, $0x2  }
.Ltmp0:
0xc: {  	s4 =	sadd.s32 s5, s4;
	s10 =	ssub.s32 s8, s10;
	(pc) =	sbr.rel .LBB2_1-.Ltmp0, $4  }
0xd: {  	s7 =	sadd.s32 s30, s2;
	s5 =	sshrl.u32 s4, $0x3;
	s4 =	sadd.s32 $0x18A00, s6  }
0xe: {  	s13 =	sadd.s32 s5, s6;
	s5 =	sadd.s32 $0x3FC00, s6;
	s6 =	sadd.s32 $0x66E00, s6  }
0xf: {  	s10 =	smax.u32 s10, $0x1;
	s8 =	sadd.s32 s5, s11;
	s9 =	sadd.s32 s6, s11  }
0x10: {  	v0 =	vimm.f32 $0.0e+00;
	s11 =	sadd.s32 s31, s2;
	s12 =	sadd.s32 $0x4E00, s13;
	s13 =	sadd.s32 $0xEC00, s13  }
.LBB2_10:
0x11: {  	s24 =	sadd.s32 $0x27000, s24  }
0x12: {  	[hbm:s24], [sflag:s23] =	dma.local [spmem:s21], $0x100  }
0x13: {  	_ =	swait.ge [sflag:s15], $0x100  }
0x14: {  	[sflag:s15] =	ssyncset.done $0x0  }
0x15: {  	[sflag:s15] =	ssyncadd.s32 $0xFFFFFF00  }
.LBB2_11:
0x16: {  	s22 =	sadd.s32 $0x1, s22  }
0x17: {  	p3 =	sne.s32 s22, s10  }
.Ltmp1:
0x18: {  	_ = 	snop;
	(pc) =	sbr.rel @!p3 .LBB2_12-.Ltmp1, $1  }
0x19: {  	_ =	sdelay $0x3  }
.LBB2_1:
0x1a: {  	s23 =	simm.s32 $0x0;
	s24 =	simm.s32 $0x200  }
.LBB2_2:
0x1b: {  	p3 =	sne.s32 s24, $0x3000;
	[tilespmem:s23+$0x161F0] =	vst v0  }
0x1c: {  	[tilespmem:s23+$0x16180] =	vst v0  }
0x1d: {  	[tilespmem:s23+$0x16190] =	vst v0  }
.Ltmp2:
0x1e: {  	[tilespmem:s23+$0x161A0] =	vst v0;
	(pc) =	sbr.rel @p3 .LBB2_2-.Ltmp2, $4  }
0x1f: {  	[tilespmem:s23+$0x161B0] =	vst v0  }
0x20: {  	[tilespmem:s23+$0x161C0] =	vst v0  }
0x21: {  	[tilespmem:s23+$0x161D0] =	vst v0  }
0x22: {  	[tilespmem:s23+$0x161E0] =	vst v0;
	s23 =	sshra.s32 s24, $0x2;
	s24 =	sadd.s32 $0x200, s24  }
0x23: {  	[tilespmem:s23+$0x161F0] =	vst v0  }
0x24: {  	[tilespmem:s23+$0x16180] =	vst v0  }
0x25: {  	[tilespmem:s23+$0x16190] =	vst v0  }
0x26: {  	[tilespmem:s23+$0x161A0] =	vst v0  }
0x27: {  	[tilespmem:s23+$0x161B0] =	vst v0  }
0x28: {  	[tilespmem:s23+$0x161C0] =	vst v0  }
0x29: {  	[tilespmem:s23+$0x161D0] =	vst v0  }
0x2a: {  	[tilespmem:s23+$0x161E0] =	vst v0;
	s31 =	sadd.s32 $0x0, s11  }
0x2b: {  	[spmem:s31] =	stream.linear.scatter [tilespmem:s14], [sflag:$0x2], $0xC80, $0x38;
	[tilespmem:$0x17180] =	vst v63  }
0x2c: {  	s23 =	simm.s32 $0x3200;
	_ =	swait.ge [sflag:s15], $0xC80  }
.LBB2_4:
0x2d: {  	s24 =	sshra.s32 s23, $0x2;
	[sflag:s15] =	ssyncset.done $0x0;
	p3 =	sne.s32 s23, $0x4B000  }
.Ltmp3:
0x2e: {  	s24 =	sadd.s32 s24, s11;
	[sflag:s15] =	ssyncadd.s32 $0xFFFFF380;
	(pc) =	sbr.rel @p3 .LBB2_4-.Ltmp3, $3  }
0x2f: {  	[spmem:s24] =	stream.linear.scatter [tilespmem:s14], [sflag:$0x2], $0xC80, $0x38;
	[tilespmem:$0x17180] =	vst v63  }
0x30: {  	s23 =	sadd.s32 $0x3200, s23;
	_ =	sdelay $0x1  }
0x31: {  	_ =	swait.ge [sflag:s15], $0xC80  }
0x32: {  	[sflag:s15] =	ssyncset.done $0x0  }
0x33: {  	[sflag:s15] =	ssyncadd.s32 $0xFFFFF380  }
0x34: {  	s23 =	sadd.s32 $0x0, s13;
	[bflag:$0x0] =	sbarrier.arrive $0xFFFF  }
0x35: {  	[tilespmem:s16], [sflag:$0x2] =	stream.linear.gather [hbm4b:s23+s3], $0x50, $0x38;
	[tilespmem:$0x17180] =	vst v63  }
0x36: {  	_ =	swait.ge [sflag:s15], $0x50  }
0x37: {  	[sflag:s15] =	ssyncset.done $0x0  }
0x38: {  	s31 =	sadd.s32 $0x0, s12;
	[sflag:s15] =	ssyncadd.s32 $0xFFFFFFB0  }
0x39: {  	[tilespmem:s17], [sflag:$0x2] =	stream.linear.gather [hbm4b:s31+s3], $0x50, $0x38;
	[tilespmem:$0x17180] =	vst v63  }
0x3a: {  	_ =	swait.ge [sflag:s15], $0x50  }
0x3b: {  	[sflag:s15] =	ssyncset.done $0x0  }
0x3c: {  	[sflag:s15] =	ssyncadd.s32 $0xFFFFFFB0  }
0x3d: {  	[tilespmem:s19], [sflag:$0x1] =	stream.indirect.gather [hbm4b:s4+s18], $0x80, s16, s18, $0xb8;
	[tilespmem:$0x17180] =	vst v63  }
0x3e: {  	_ =	swait.ge [sflag:s20], $0x2800  }
0x3f: {  	[sflag:s20] =	ssyncset.done $0x0  }
0x40: {  	[sflag:s20] =	ssyncadd.s32 $0xFFFFD800  }
0x41: {  	[spmem:s2] =	stream.indirect.scatter.add.f32 [tilespmem:s19], [sflag:$0x2], $0x80, s17, s18, $0xb8;
	[tilespmem:$0x17180] =	vst v63  }
0x42: {  	_ =	swait.ge [sflag:s15], $0x2800  }
0x43: {  	s24 =	simm.s32 $0x14;
	s23 =	simm.s32 $0xA;
	[sflag:s15] =	ssyncset.done $0x0  }
.LBB2_6:
0x44: {  	s25 =	sadd.s32 s23, s13  }
0x45: {  	[sflag:s15] =	ssyncadd.s32 $0xFFFFD800;
	s26 =	smov.u32 s24;
	s28 =	sadd.s32 $0xA, s24  }
0x46: {  	[tilespmem:s16], [sflag:$0x2] =	stream.linear.gather [hbm4b:s25+s3], $0x50, $0x38;
	[tilespmem:$0x17180] =	vst v63  }
0x47: {  	p3 =	sne.s32 s24, $0x4D8;
	_ =	swait.ge [sflag:s15], $0x50  }
0x48: {  	[sflag:s15] =	ssyncset.done $0x0  }
0x49: {  	s24 =	sadd.s32 s23, s12;
	s23 =	smov.u32 s26;
	[sflag:s15] =	ssyncadd.s32 $0xFFFFFFB0  }
0x4a: {  	[tilespmem:s17], [sflag:$0x2] =	stream.linear.gather [hbm4b:s24+s3], $0x50, $0x38;
	[tilespmem:$0x17180] =	vst v63  }
0x4b: {  	_ =	swait.ge [sflag:s15], $0x50  }
0x4c: {  	[sflag:s15] =	ssyncset.done $0x0  }
0x4d: {  	[sflag:s15] =	ssyncadd.s32 $0xFFFFFFB0  }
0x4e: {  	[tilespmem:s19], [sflag:$0x1] =	stream.indirect.gather [hbm4b:s4+s18], $0x80, s16, s18, $0xb8;
	[tilespmem:$0x17180] =	vst v63  }
0x4f: {  	_ =	swait.ge [sflag:s20], $0x2800  }
.Ltmp4:
0x50: {  	[sflag:s20] =	ssyncset.done $0x0;
	(pc) =	sbr.rel @p3 .LBB2_6-.Ltmp4, $4  }
0x51: {  	[sflag:s20] =	ssyncadd.s32 $0xFFFFD800  }
0x52: {  	[spmem:s2] =	stream.indirect.scatter.add.f32 [tilespmem:s19], [sflag:$0x2], $0x80, s17, s18, $0xb8;
	[tilespmem:$0x17180] =	vst v63  }
0x53: {  	_ =	swait.ge [sflag:s15], $0x2800  }
0x54: {  	s24 =	smov.u32 s28;
	[sflag:s15] =	ssyncset.done $0x0  }
0x55: {  	s24 =	sadd.s32 s23, s13;
	[sflag:s15] =	ssyncadd.s32 $0xFFFFD800  }
0x56: {  	[tilespmem:s16], [sflag:$0x2] =	stream.linear.gather [hbm4b:s24+s3], $0x50, $0x38;
	[tilespmem:$0x17180] =	vst v63  }
0x57: {  	_ =	swait.ge [sflag:s15], $0x50  }
0x58: {  	[sflag:s15] =	ssyncset.done $0x0  }
0x59: {  	s31 =	sadd.s32 s23, s12;
	[sflag:s15] =	ssyncadd.s32 $0xFFFFFFB0  }
0x5a: {  	[tilespmem:s17], [sflag:$0x2] =	stream.linear.gather [hbm4b:s31+s3], $0x50, $0x38;
	[tilespmem:$0x17180] =	vst v63  }
0x5b: {  	_ =	swait.ge [sflag:s15], $0x50  }
0x5c: {  	[sflag:s15] =	ssyncset.done $0x0  }
0x5d: {  	[sflag:s15] =	ssyncadd.s32 $0xFFFFFFB0  }
0x5e: {  	[tilespmem:s19], [sflag:$0x1] =	stream.indirect.gather [hbm4b:s4+s18], $0x80, s16, s18, $0xb8;
	[tilespmem:$0x17180] =	vst v63  }
0x5f: {  	_ =	swait.ge [sflag:s20], $0x2800  }
0x60: {  	[sflag:s20] =	ssyncset.done $0x0  }
0x61: {  	[sflag:s20] =	ssyncadd.s32 $0xFFFFD800  }
0x62: {  	[spmem:s2] =	stream.indirect.scatter.add.f32 [tilespmem:s19], [sflag:$0x2], $0x80, s17, s18, $0xb8;
	[tilespmem:$0x17180] =	vst v63  }
.Ltmp5:
0x63: {  	_ =	swait.ge [sflag:s15], $0x2800;
	(pc) =	sbr.rel @!p0 .LBB2_8-.Ltmp5, $4  }
0x64: {  	[sflag:s15] =	ssyncset.done $0x0  }
0x65: {  	[sflag:s15] =	ssyncadd.s32 $0xFFFFD800  }
0x66: {  	s25 =	sshll.u32 s0, $0x6;
	[bflag:$0x0] =	sbarrier.arrive $0xFFFF  }
0x67: {  	s24 =	sshrl.u32 s7, $0x3;
	s23 =	sor.u32 $0x1C02, s25  }
0x68: {  	s23 =	sor.u32 $0x1C02, s25  }
0x69: {  	[hbm:s9], [sflag:s23] =	dma.local [spmem:s24], $0x2700  }
.Ltmp6:
0x6a: {  	_ = 	snop;
	(pc) =	sbr.rel @p1 .LBB2_11-.Ltmp6, $4  }
.Ltmp7:
0x6b: {  	_ = 	snop;
	(pc) =	sbr.rel @!p1 .LBB2_10-.Ltmp7, $4  }
0x6c: {  	_ =	swait.ge [sflag:s15], $0x2700  }
0x6d: {  	[sflag:s15] =	ssyncset.done $0x0  }
0x6e: {  	s24 =	smov.u32 s6;
	[sflag:s15] =	ssyncadd.s32 $0xFFFFD900  }
0x6f: {  	_ = 	snop  }
.LBB2_8:
0x70: {  	[hbm:s8], [sflag:s23] =	dma.local [spmem:s24], $0x2700  }
.Ltmp8:
0x71: {  	_ = 	snop;
	(pc) =	sbr.rel @p2 .LBB2_10-.Ltmp8, $4  }
.Ltmp9:
0x72: {  	_ = 	snop;
	(pc) =	sbr.rel @!p2 .LBB2_11-.Ltmp9, $4  }
0x73: {  	_ =	swait.ge [sflag:s15], $0x2700  }
0x74: {  	[sflag:s15] =	ssyncset.done $0x0  }
0x75: {  	s24 =	smov.u32 s5;
	[sflag:s15] =	ssyncadd.s32 $0xFFFFD900  }
0x76: {  	_ = 	snop  }
.LBB2_12:
0x77: {  	_ =	sfence.sel $0x180000  }
0x78: {  	[bflag:$0x0] =	sbarrier.arrive $0xFFFF  }
0x79: {  	p0 =	sne.s32 s0, $0x0;
	_ =	strace $0x90000047  }
0x7a: {  	s0 =	sadd.s32 @!p0 $0x100000, s1;
	[bflag:$0x2] =	sbarrier.arrive $0xFFFF  }
0x7b: {  	[sflag:s0] =	ssyncadd.tile.s32 @!p0 $0x1;
	_ =	shalt  }
.Lfunc_end2:
_tile_overlayer_lowered:
.L_overlay_start_2:
0x7c: {  	(tag) =	ssettag $0x2  }
0x7d: {  	s0 =	rddreg [dreg:$0x0];
	s2 =	stileid.u32  }
0x7e: {  	s1 =	rddreg [dreg:$0x1];
	p0 =	sne.s32 s2, $0x0  }
0x7f: {  	s3 =	rddreg [dreg:$0x2];
	[bflag:$0x3] =	sbarrier.arrive $0xFFFF;
	s2 =	simm.s32 @!p0 $0x1C02  }
0x80: {  	[timem:s3], [sflag:s2] =	dma.local @!p0 [hbm:s0], s1  }
0x81: {  	s0 =	simm.s32 @!p0 $0x2  }
0x82: {  	_ =	swait.ge @!p0 [sflag:s0], s1  }
0x83: {  	s1 =	ssub.s32 @!p0 $0x0, s1;
	[sflag:s0] =	ssyncset.done @!p0 $0x0  }
0x84: {  	[sflag:s0] =	ssyncadd.s32 @!p0 s1  }
0x85: {  	[bflag:$0x3] =	sbarrier.arrive $0xFFFF  }
0x86: {  	_ =	shalt  }

// kernel: kernel.13.cloned.1.call-start
scs
__scs_entry_jumppad:
0x0: {  	(pc) =	sbr.rel $0x88, $3  }
0x1: {  	(tag) =	ssettag $0x0;
	lr =	simm.s32 $0x1  }
0x2: {  	[smem:$0x3F8C] =	sst lr;
	_ =	strace $0xD0000000  }
0x3: {  	_ = 	snop  }
0x4: {  	_ = 	snop  }
0x5: {  	_ = 	snop  }
0x6: {  	_ = 	snop  }
0x7: {  	_ = 	snop  }
__scs_overlays_trampoline_lowered:
0x8: {  	[smem:$0x3F9B] =	sst s0  }
0x9: {  	[smem:$0x3F9C] =	sst s1  }
0xa: {  	[smem:$0x3F9D] =	sst s2  }
0xb: {  	[smem:$0x3F9E] =	sst s3  }
0xc: {  	[smem:$0x3F9F] =	sst s4  }
0xd: {  	[smem:$0x3FA0] =	sst s5  }
0xe: {  	[smem:$0x3FA1] =	sst s6  }
0xf: {  	[smem:$0x3FA2] =	sst s7  }
0x10: {  	[smem:$0x3FA3] =	sst s8  }
0x11: {  	[smem:$0x3FA4] =	sst s9;
	s0 =	simm.s32 @!p0 $0x0  }
0x12: {  	s1 =	sld [smem:$0x3F8A];
	s0 =	simm.s32 @p0 $0x1  }
0x13: {  	[smem:$0x3FA5] =	sst s0;
	s0 =	simm.s32 @!p1 $0x0  }
0x14: {  	s2 =	sld [smem:$0x3F89];
	s0 =	simm.s32 @p1 $0x1  }
0x15: {  	[smem:$0x3FA6] =	sst s0;
	s0 =	simm.s32 @!p2 $0x0  }
0x16: {  	s3 =	sld [smem:$0x3FDB];
	s0 =	simm.s32 @p2 $0x1  }
0x17: {  	s4 =	simm.s32 $0x1BF5;
	[smem:$0x3FA8] =	sst s0  }
0x18: {  	s0 =	sld [smem:$0x3F8B];
	_ =	swait.ge [sflag:s4], $0x0  }
0x19: {  	s7 =	sld [smem:$0x3F8C]  }
0x1a: {  	s8 =	sadd.s32 $0xFFFFE003, lr  }
0x1b: {  	s9 =	sadd.s32 $0xFFFFFEF7, lr;
	s5 =	simm.s32 $0xFFFFFFFF;
	p2 =	slt.u32 s8, $0xFFFFF086  }
0x1c: {  	p1 =	slt.u32 s9, $0xF7A;
	s5 =	simm.s32 @!p2 $0x0  }
0x1d: {  	s5 =	simm.s32 @p1 $0x1;
	p0 =	seq.s32 s7, s2  }
0x1e: {  	s7 =	smul.u32 @!p0 $0xF7A, s2;
	p2 =	seq.s32 @!p0 s5, $0x0  }
0x1f: {  	s9 =	smul.u32 $0xF7A, s1;
	s8 =	simm.s32 @!p0 $0x1BF5;
	p2 =	por !p2, p0  }
0x20: {  	[sflag:s8] =	ssyncset.s32 @!p0 $0xFFFFF086;
	s6 =	sadd.s32 @!p0 s3, s7;
	s7 =	simm.s32 @!p0 $0x108  }
0x21: {  	s3 =	sadd.s32 s3, s9;
	s6 =	sadd.s32 @!p0 $0x88, s6;
	s7 =	simm.s32 @p2 $0x1082  }
0x22: {  	[simem:s7], [sflag:s8] =	dma.local @!p0 [hbm:s6], $0xF7A  }
0x23: {  	s9 =	sor.u32 $0xD0000000, s2;
	s6 =	simm.s32 $0x108;
	_ =	swait.ge @!p0 [sflag:s8], $0x0  }
0x24: {  	s3 =	sadd.s32 $0x88, s3;
	s6 =	simm.s32 @!p1 $0x1082;
	[sflag:s4] =	ssyncset.s32 $0xFFFFF086  }
0x25: {  	[simem:s6], [sflag:s4] =	dma.local [hbm:s3], $0xF7A  }
0x26: {  	[smem:$0x3F8C] =	sst s1;
	(tag) =	ssettag s2;
	_ =	strace s9  }
0x27: {  	s1 =	sld [smem:$0x3F9C]  }
0x28: {  	s2 =	sld [smem:$0x3F9D]  }
0x29: {  	s4 =	sld [smem:$0x3F9F]  }
0x2a: {  	p0 =	seq.s32 s5, $0x0;
	s5 =	sld [smem:$0x3FA0]  }
0x2b: {  	s6 =	sld [smem:$0x3FA1]  }
0x2c: {  	s7 =	sld [smem:$0x3FA2]  }
0x2d: {  	s3 =	simm.s32 $0x108;
	s8 =	sld [smem:$0x3FA3]  }
0x2e: {  	s3 =	simm.s32 @!p0 $0x1082;
	s9 =	sld [smem:$0x3FA4]  }
0x2f: {  	lr =	sadd.s32 s0, s3;
	s0 =	sld [smem:$0x3F9B]  }
0x30: {  	s3 =	sld [smem:$0x3F9E]  }
0x31: {  	[smem:$0x3FA7] =	sst s10  }
0x32: {  	s10 =	sld [smem:$0x3FA5];
	_ =	sdelay $0x3  }
0x33: {  	p0 =	seq.s32 s10, $0x1;
	s10 =	sld [smem:$0x3FA7];
	_ =	sdelay $0x3  }
0x34: {  	[smem:$0x3FA7] =	sst s10  }
0x35: {  	s10 =	sld [smem:$0x3FA6];
	_ =	sdelay $0x3  }
0x36: {  	p1 =	seq.s32 s10, $0x1;
	s10 =	sld [smem:$0x3FA7];
	_ =	sdelay $0x3  }
0x37: {  	[smem:$0x3FA7] =	sst s10  }
0x38: {  	s10 =	sld [smem:$0x3FA8]  }
0x39: {  	_ = 	snop;
	(pc) =	sbr.ind lr, $3  }
0x3a: {  	_ = 	snop  }
0x3b: {  	_ = 	snop  }
0x3c: {  	p2 =	seq.s32 s10, $0x1;
	s10 =	sld [smem:$0x3FA7]  }
0x3d: {  	_ =	shalt  }
0x3e: {  	_ =	shalt  }
0x3f: {  	_ =	shalt  }
0x40: {  	_ =	shalt  }
0x41: {  	_ =	shalt  }
0x42: {  	_ =	shalt  }
0x43: {  	_ =	shalt  }
0x44: {  	_ =	shalt  }
0x45: {  	_ =	shalt  }
0x46: {  	_ =	shalt  }
0x47: {  	_ =	shalt  }
0x48: {  	_ =	shalt  }
0x49: {  	_ =	shalt  }
0x4a: {  	_ =	shalt  }
0x4b: {  	_ =	shalt  }
0x4c: {  	_ =	shalt  }
0x4d: {  	_ =	shalt  }
0x4e: {  	_ =	shalt  }
0x4f: {  	_ =	shalt  }
0x50: {  	_ =	shalt  }
0x51: {  	_ =	shalt  }
0x52: {  	_ =	shalt  }
0x53: {  	_ =	shalt  }
0x54: {  	_ =	shalt  }
0x55: {  	_ =	shalt  }
0x56: {  	_ =	shalt  }
0x57: {  	_ =	shalt  }
0x58: {  	_ =	shalt  }
0x59: {  	_ =	shalt  }
0x5a: {  	_ =	shalt  }
0x5b: {  	_ =	shalt  }
0x5c: {  	_ =	shalt  }
0x5d: {  	_ =	shalt  }
0x5e: {  	_ =	shalt  }
0x5f: {  	_ =	shalt  }
0x60: {  	_ =	shalt  }
0x61: {  	_ =	shalt  }
0x62: {  	_ =	shalt  }
0x63: {  	_ =	shalt  }
0x64: {  	_ =	shalt  }
0x65: {  	_ =	shalt  }
0x66: {  	_ =	shalt  }
0x67: {  	_ =	shalt  }
0x68: {  	_ =	shalt  }
0x69: {  	_ =	shalt  }
0x6a: {  	_ =	shalt  }
0x6b: {  	_ =	shalt  }
0x6c: {  	_ =	shalt  }
0x6d: {  	_ =	shalt  }
0x6e: {  	_ =	shalt  }
0x6f: {  	_ =	shalt  }
0x70: {  	_ =	shalt  }
0x71: {  	_ =	shalt  }
0x72: {  	_ =	shalt  }
0x73: {  	_ =	shalt  }
0x74: {  	_ =	shalt  }
0x75: {  	_ =	shalt  }
0x76: {  	_ =	shalt  }
0x77: {  	_ =	shalt  }
0x78: {  	_ =	shalt  }
0x79: {  	_ =	shalt  }
0x7a: {  	_ =	shalt  }
0x7b: {  	_ =	shalt  }
0x7c: {  	_ =	shalt  }
0x7d: {  	_ =	shalt  }
0x7e: {  	_ =	shalt  }
0x7f: {  	_ =	shalt  }
0x80: {  	_ =	shalt  }
0x81: {  	_ =	shalt  }
0x82: {  	_ =	shalt  }
0x83: {  	_ =	shalt  }
0x84: {  	_ =	shalt  }
0x85: {  	_ =	shalt  }
0x86: {  	_ =	shalt  }
0x87: {  	_ =	shalt  }
.Lfunc_end0:
.L_simem_size_0:
called_computation.1_lowered:
.L_overlay_start_0:
0x88: {  	s2 =	sld [smem:$0x3FD9]  }
0x89: {  	s3 =	sld [smem:$0x3FFE];
	_ =	sdelay $0x1  }
0x8a: {  	s1 =	srdreg.scid  }
0x8b: {  	s0 =	sand.u32 $0x1, s1  }
0x8c: {  	s16 =	sshll.u32 s0, $0xA;
	s2 =	sadd.s32 s3, s2  }
0x8d: {  	s2 =	sadd.s32 s2, s16  }
0x8e: {  	[smem:$0x3FB3] =	sst s2  }
0x8f: {  	_ = 	snop  }
0x90: {  	(tm) =	ssettm $0x1  }
0x91: {  	s17 =	sld [smem:$0x3FFB];
	_ =	sdelay $0x3  }
0x92: {  	_ =	strace s17  }
0x93: {  	s2 =	sld [smem:$0x3FFC];
	_ =	sdelay $0x3  }
0x94: {  	_ =	strace s2  }
0x95: {  	s2 =	sld [smem:$0x3FFD];
	_ =	sdelay $0x3  }
0x96: {  	_ =	strace s2  }
0x97: {  	_ =	strace $0x8FFFFFFF  }
0x98: {  	s18 =	sld [smem:$0x3FDB];
	_ =	sdelay $0x1  }
0x99: {  	s19 =	simm.s32 $_scs_section_size  }
0x9a: {  	s4 =	simm.s32 $_size__tile_overlayer_lowered;
	s5 =	simm.s32 $_tile_overlayer_lowered  }
0x9b: {  	s22 =	simm.s32 $0x1BFF;
	s21 =	sshll.u32 s5, $0x1;
	s2 =	sadd.s32 s19, s18  }
0x9c: {  	s6 =	simm.s32 $0x0;
	s20 =	sshll.u32 s4, $0x1;
	s4 =	sadd.s32 s21, s2  }
0x9d: {  	[timem:s6], [sflag:s22] =	dma.local [hbm:s4], s20  }
0x9e: {  	_ =	swait.ge [sflag:s22], s20  }
0x9f: {  	s3 =	ssub.s32 $0x0, s20;
	[sflag:s22] =	ssyncset.done $0x0  }
0xa0: {  	[sflag:s22] =	ssyncadd.s32 s3;
	_ =	sdelay $0x1  }
0xa1: {  	s23 =	simm.s32 $0x1B8B  }
0xa2: {  	_ =	swait.ge [sflag:s23], $0x1  }
0xa3: {  	[sflag:s23] =	ssyncset.done $0x0  }
0xa4: {  	s25 =	simm.s32 $0x1B8E;
	s24 =	sld [smem:$0x3FFE];
	[sflag:s23] =	ssyncadd.s32 $0xFFFFFFFF  }
0xa5: {  	s26 =	simm.s32 $execute0_lowered;
	[smem:$0x3FD2] =	sst s25  }
0xa6: {  	s4 =	sshll.u32 s26, $0x1;
	_ =	strace $0x80000049;
	[dreg:$0x1] =	wrdreg $0xFFFFFFFF  }
0xa7: {  	s28 =	simm.s32 $_size_execute0_lowered;
	s2 =	sadd.s32 s2, s4;
	[dreg:$0x0] =	wrdreg $0x0  }
0xa8: {  	s4 =	sshll.u32 s28, $0x1;
	[dreg:$0x2] =	wrdreg s2  }
0xa9: {  	[dreg:$0x3] =	wrdreg s4  }
0xaa: {  	[dreg:$0x4] =	wrdreg $0xC0  }
0xab: {  	_ =	task [dreg:s6], $0x5FFFF  }
0xac: {  	[dreg:$0x1] =	wrdreg $0xFFFFFFFF  }
0xad: {  	[dreg:$0x0] =	wrdreg $0x60  }
0xae: {  	[dreg:$0x2] =	wrdreg s24  }
0xaf: {  	[dreg:$0x3] =	wrdreg $0x0  }
0xb0: {  	[dreg:$0x4] =	wrdreg $0x9  }
0xb1: {  	_ =	task.clear_ibuf [dreg:s6], $0x5FFFF;
	_ =	strace $0x90000049  }
0xb2: {  	s29 =	simm.s32 $0x9;
	_ =	strace $0x8000004B  }
0xb3: {  	_ =	swait.ge [sflag:s29], $0x1  }
0xb4: {  	[sflag:s29] =	ssyncadd.s32 $0xFFFFFFFF  }
0xb5: {  	_ =	strace $0x9000004B  }
0xb6: {  	_ =	sfence  }
0xb7: {  	s30 =	sld [smem:$0x0];
	_ =	sdelay $0x2  }
0xb8: {  	s31 =	sshll.u32 s1, $0xD;
	s1 =	sshrl.u32 s1, $0x2  }
0xb9: {  	s3 =	sand.u32 $0x4000, s31;
	s1 =	sadd.s32 s1, s30  }
0xba: {  	s0 =	sor.u32 s3, s0;
	s1 =	sshll.u32 s1, $0x11  }
0xbb: {  	s0 =	sor.u32 s1, s0  }
0xbc: {  	s0 =	sadd.s32 $0x8F2B, s0  }
0xbd: {  	[sflag:s0] =	ssyncadd.remote.s32 $0x1  }
0xbe: {  	_ =	sfence.sel $0xFFFF  }
0xbf: {  	[dreg:$0x0] =	wrdreg $0xFFFFFFFF;
	(pc) =	sbr.abs _section_cstart, $3  }
0xc0: {  	[dreg:$0x1] =	wrdreg $0xFFFFFFFF  }
0xc1: {  	_ =	task.clear_ibuf [dreg:s6], $0x2FFFF;
	_ =	strace $0x9FFFFFFF  }
0xc2: {  	(tm) =	ssettm $0x7FFFFFFF  }
0xc3: {  	_ =	shalt  }
tec
execute0_lowered:
.L_overlay_start_1:
0x0: {  	(tag) =	ssettag $0x1  }
0x1: {  	s1 =	srdreg.scid;
	s6 =	rddreg [dreg:$0x0]  }
0x2: {  	s0 =	stileid.u32;
	s2 =	rddreg [dreg:$0x1]  }
0x3: {  	s3 =	simm.s32 $0x0;
	s14 =	simm.s32 $0x16180;
	s15 =	simm.s32 $0x2  }
0x4: {  	s16 =	simm.s32 $0x13880;
	s17 =	simm.s32 $0x13900;
	s18 =	simm.s32 $0x50  }
0x5: {  	s19 =	simm.s32 $0x13980;
	s20 =	simm.s32 $0x1;
	s4 =	smul.u32 $0x4E20, s0  }
0x6: {  	s7 =	sand.u32 $0x1, s1;
	s1 =	rddreg [dreg:$0x2];
	s9 =	smul.u32 $0x4E000, s0  }
0x7: {  	s22 =	simm.s32 $0x0;
	[smem:$0x7FF] =	sst s3;
	s11 =	smul.u32 $0x2700, s0  }
0x8: {  	s12 =	smul.u32 $0x4E200, s0;
	s21 =	sadd.s32 $0x138000, s2;
	p1 =	sne.s32 s0, $0xF  }
0x9: {  	p2 =	seq.s32 s0, $0xF;
	s5 =	smul.u32 $0x2710, s7;
	_ =	strace $0x8000004A  }
0xa: {  	s8 =	ssub.s32 $0x2, s7;
	p0 =	seq.s32 s7, $0x1;
	s21 =	sshrl.u32 s21, $0x3  }
0xb: {  	s10 =	sshrl.u32 s8, $0x1;
	s30 =	sshrl.u32 s9, $0x2;
	s31 =	sshrl.u32 s12, $0x2  }
.Ltmp0:
0xc: {  	s4 =	sadd.s32 s5, s4;
	s10 =	ssub.s32 s8, s10;
	(pc) =	sbr.rel .LBB2_1-.Ltmp0, $4  }
0xd: {  	s7 =	sadd.s32 s30, s2;
	s5 =	sshrl.u32 s4, $0x3;
	s4 =	sadd.s32 $0x18A00, s6  }
0xe: {  	s13 =	sadd.s32 s5, s6;
	s5 =	sadd.s32 $0x3FC00, s6;
	s6 =	sadd.s32 $0x66E00, s6  }
0xf: {  	s10 =	smax.u32 s10, $0x1;
	s8 =	sadd.s32 s5, s11;
	s9 =	sadd.s32 s6, s11  }
0x10: {  	v0 =	vimm.f32 $0.0e+00;
	s11 =	sadd.s32 s31, s2;
	s12 =	sadd.s32 $0x4E00, s13;
	s13 =	sadd.s32 $0xEC00, s13  }
.LBB2_10:
0x11: {  	s24 =	sadd.s32 $0x27000, s24  }
0x12: {  	[hbm:s24], [sflag:s23] =	dma.local [spmem:s21], $0x100  }
0x13: {  	_ =	swait.ge [sflag:s15], $0x100  }
0x14: {  	[sflag:s15] =	ssyncset.done $0x0  }
0x15: {  	[sflag:s15] =	ssyncadd.s32 $0xFFFFFF00  }
.LBB2_11:
0x16: {  	s22 =	sadd.s32 $0x1, s22  }
0x17: {  	p3 =	sne.s32 s22, s10  }
.Ltmp1:
0x18: {  	_ = 	snop;
	(pc) =	sbr.rel @!p3 .LBB2_12-.Ltmp1, $1  }
0x19: {  	_ =	sdelay $0x3  }
.LBB2_1:
0x1a: {  	s23 =	simm.s32 $0x0;
	s24 =	simm.s32 $0x200  }
.LBB2_2:
0x1b: {  	p3 =	sne.s32 s24, $0x3000;
	[tilespmem:s23+$0x161F0] =	vst v0  }
0x1c: {  	[tilespmem:s23+$0x16180] =	vst v0  }
0x1d: {  	[tilespmem:s23+$0x16190] =	vst v0  }
.Ltmp2:
0x1e: {  	[tilespmem:s23+$0x161A0] =	vst v0;
	(pc) =	sbr.rel @p3 .LBB2_2-.Ltmp2, $4  }
0x1f: {  	[tilespmem:s23+$0x161B0] =	vst v0  }
0x20: {  	[tilespmem:s23+$0x161C0] =	vst v0  }
0x21: {  	[tilespmem:s23+$0x161D0] =	vst v0  }
0x22: {  	[tilespmem:s23+$0x161E0] =	vst v0;
	s23 =	sshra.s32 s24, $0x2;
	s24 =	sadd.s32 $0x200, s24  }
0x23: {  	[tilespmem:s23+$0x161F0] =	vst v0  }
0x24: {  	[tilespmem:s23+$0x16180] =	vst v0  }
0x25: {  	[tilespmem:s23+$0x16190] =	vst v0  }
0x26: {  	[tilespmem:s23+$0x161A0] =	vst v0  }
0x27: {  	[tilespmem:s23+$0x161B0] =	vst v0  }
0x28: {  	[tilespmem:s23+$0x161C0] =	vst v0  }
0x29: {  	[tilespmem:s23+$0x161D0] =	vst v0  }
0x2a: {  	[tilespmem:s23+$0x161E0] =	vst v0;
	s31 =	sadd.s32 $0x0, s11  }
0x2b: {  	[spmem:s31] =	stream.linear.scatter [tilespmem:s14], [sflag:$0x2], $0xC80, $0x38;
	[tilespmem:$0x17180] =	vst v63  }
0x2c: {  	s23 =	simm.s32 $0x3200;
	_ =	swait.ge [sflag:s15], $0xC80  }
.LBB2_4:
0x2d: {  	s24 =	sshra.s32 s23, $0x2;
	[sflag:s15] =	ssyncset.done $0x0;
	p3 =	sne.s32 s23, $0x4B000  }
.Ltmp3:
0x2e: {  	s24 =	sadd.s32 s24, s11;
	[sflag:s15] =	ssyncadd.s32 $0xFFFFF380;
	(pc) =	sbr.rel @p3 .LBB2_4-.Ltmp3, $3  }
0x2f: {  	[spmem:s24] =	stream.linear.scatter [tilespmem:s14], [sflag:$0x2], $0xC80, $0x38;
	[tilespmem:$0x17180] =	vst v63  }
0x30: {  	s23 =	sadd.s32 $0x3200, s23;
	_ =	sdelay $0x1  }
0x31: {  	_ =	swait.ge [sflag:s15], $0xC80  }
0x32: {  	[sflag:s15] =	ssyncset.done $0x0  }
0x33: {  	[sflag:s15] =	ssyncadd.s32 $0xFFFFF380  }
0x34: {  	s23 =	sadd.s32 $0x0, s13;
	[bflag:$0x0] =	sbarrier.arrive $0xFFFF  }
0x35: {  	[tilespmem:s16], [sflag:$0x2] =	stream.linear.gather [hbm4b:s23+s3], $0x50, $0x38;
	[tilespmem:$0x17180] =	vst v63  }
0x36: {  	_ =	swait.ge [sflag:s15], $0x50  }
0x37: {  	[sflag:s15] =	ssyncset.done $0x0  }
0x38: {  	s31 =	sadd.s32 $0x0, s12;
	[sflag:s15] =	ssyncadd.s32 $0xFFFFFFB0  }
0x39: {  	[tilespmem:s17], [sflag:$0x2] =	stream.linear.gather [hbm4b:s31+s3], $0x50, $0x38;
	[tilespmem:$0x17180] =	vst v63  }
0x3a: {  	_ =	swait.ge [sflag:s15], $0x50  }
0x3b: {  	[sflag:s15] =	ssyncset.done $0x0  }
0x3c: {  	[sflag:s15] =	ssyncadd.s32 $0xFFFFFFB0  }
0x3d: {  	[tilespmem:s19], [sflag:$0x1] =	stream.indirect.gather [hbm4b:s4+s18], $0x80, s16, s18, $0xb8;
	[tilespmem:$0x17180] =	vst v63  }
0x3e: {  	_ =	swait.ge [sflag:s20], $0x2800  }
0x3f: {  	[sflag:s20] =	ssyncset.done $0x0  }
0x40: {  	[sflag:s20] =	ssyncadd.s32 $0xFFFFD800  }
0x41: {  	[spmem:s2] =	stream.indirect.scatter.add.f32 [tilespmem:s19], [sflag:$0x2], $0x80, s17, s18, $0xb8;
	[tilespmem:$0x17180] =	vst v63  }
0x42: {  	_ =	swait.ge [sflag:s15], $0x2800  }
0x43: {  	s24 =	simm.s32 $0x14;
	s23 =	simm.s32 $0xA;
	[sflag:s15] =	ssyncset.done $0x0  }
.LBB2_6:
0x44: {  	s25 =	sadd.s32 s23, s13  }
0x45: {  	[sflag:s15] =	ssyncadd.s32 $0xFFFFD800;
	s26 =	smov.u32 s24;
	s28 =	sadd.s32 $0xA, s24  }
0x46: {  	[tilespmem:s16], [sflag:$0x2] =	stream.linear.gather [hbm4b:s25+s3], $0x50, $0x38;
	[tilespmem:$0x17180] =	vst v63  }
0x47: {  	p3 =	sne.s32 s24, $0x4D8;
	_ =	swait.ge [sflag:s15], $0x50  }
0x48: {  	[sflag:s15] =	ssyncset.done $0x0  }
0x49: {  	s24 =	sadd.s32 s23, s12;
	s23 =	smov.u32 s26;
	[sflag:s15] =	ssyncadd.s32 $0xFFFFFFB0  }
0x4a: {  	[tilespmem:s17], [sflag:$0x2] =	stream.linear.gather [hbm4b:s24+s3], $0x50, $0x38;
	[tilespmem:$0x17180] =	vst v63  }
0x4b: {  	_ =	swait.ge [sflag:s15], $0x50  }
0x4c: {  	[sflag:s15] =	ssyncset.done $0x0  }
0x4d: {  	[sflag:s15] =	ssyncadd.s32 $0xFFFFFFB0  }
0x4e: {  	[tilespmem:s19], [sflag:$0x1] =	stream.indirect.gather [hbm4b:s4+s18], $0x80, s16, s18, $0xb8;
	[tilespmem:$0x17180] =	vst v63  }
0x4f: {  	_ =	swait.ge [sflag:s20], $0x2800  }
.Ltmp4:
0x50: {  	[sflag:s20] =	ssyncset.done $0x0;
	(pc) =	sbr.rel @p3 .LBB2_6-.Ltmp4, $4  }
0x51: {  	[sflag:s20] =	ssyncadd.s32 $0xFFFFD800  }
0x52: {  	[spmem:s2] =	stream.indirect.scatter.add.f32 [tilespmem:s19], [sflag:$0x2], $0x80, s17, s18, $0xb8;
	[tilespmem:$0x17180] =	vst v63  }
0x53: {  	_ =	swait.ge [sflag:s15], $0x2800  }
0x54: {  	s24 =	smov.u32 s28;
	[sflag:s15] =	ssyncset.done $0x0  }
0x55: {  	s24 =	sadd.s32 s23, s13;
	[sflag:s15] =	ssyncadd.s32 $0xFFFFD800  }
0x56: {  	[tilespmem:s16], [sflag:$0x2] =	stream.linear.gather [hbm4b:s24+s3], $0x50, $0x38;
	[tilespmem:$0x17180] =	vst v63  }
0x57: {  	_ =	swait.ge [sflag:s15], $0x50  }
0x58: {  	[sflag:s15] =	ssyncset.done $0x0  }
0x59: {  	s31 =	sadd.s32 s23, s12;
	[sflag:s15] =	ssyncadd.s32 $0xFFFFFFB0  }
0x5a: {  	[tilespmem:s17], [sflag:$0x2] =	stream.linear.gather [hbm4b:s31+s3], $0x50, $0x38;
	[tilespmem:$0x17180] =	vst v63  }
0x5b: {  	_ =	swait.ge [sflag:s15], $0x50  }
0x5c: {  	[sflag:s15] =	ssyncset.done $0x0  }
0x5d: {  	[sflag:s15] =	ssyncadd.s32 $0xFFFFFFB0  }
0x5e: {  	[tilespmem:s19], [sflag:$0x1] =	stream.indirect.gather [hbm4b:s4+s18], $0x80, s16, s18, $0xb8;
	[tilespmem:$0x17180] =	vst v63  }
0x5f: {  	_ =	swait.ge [sflag:s20], $0x2800  }
0x60: {  	[sflag:s20] =	ssyncset.done $0x0  }
0x61: {  	[sflag:s20] =	ssyncadd.s32 $0xFFFFD800  }
0x62: {  	[spmem:s2] =	stream.indirect.scatter.add.f32 [tilespmem:s19], [sflag:$0x2], $0x80, s17, s18, $0xb8;
	[tilespmem:$0x17180] =	vst v63  }
.Ltmp5:
0x63: {  	_ =	swait.ge [sflag:s15], $0x2800;
	(pc) =	sbr.rel @!p0 .LBB2_8-.Ltmp5, $4  }
0x64: {  	[sflag:s15] =	ssyncset.done $0x0  }
0x65: {  	[sflag:s15] =	ssyncadd.s32 $0xFFFFD800  }
0x66: {  	s25 =	sshll.u32 s0, $0x6;
	[bflag:$0x0] =	sbarrier.arrive $0xFFFF  }
0x67: {  	s24 =	sshrl.u32 s7, $0x3;
	s23 =	sor.u32 $0x1C02, s25  }
0x68: {  	s23 =	sor.u32 $0x1C02, s25  }
0x69: {  	[hbm:s9], [sflag:s23] =	dma.local [spmem:s24], $0x2700  }
.Ltmp6:
0x6a: {  	_ = 	snop;
	(pc) =	sbr.rel @p1 .LBB2_11-.Ltmp6, $4  }
.Ltmp7:
0x6b: {  	_ = 	snop;
	(pc) =	sbr.rel @!p1 .LBB2_10-.Ltmp7, $4  }
0x6c: {  	_ =	swait.ge [sflag:s15], $0x2700  }
0x6d: {  	[sflag:s15] =	ssyncset.done $0x0  }
0x6e: {  	s24 =	smov.u32 s6;
	[sflag:s15] =	ssyncadd.s32 $0xFFFFD900  }
0x6f: {  	_ = 	snop  }
.LBB2_8:
0x70: {  	[hbm:s8], [sflag:s23] =	dma.local [spmem:s24], $0x2700  }
.Ltmp8:
0x71: {  	_ = 	snop;
	(pc) =	sbr.rel @p2 .LBB2_10-.Ltmp8, $4  }
.Ltmp9:
0x72: {  	_ = 	snop;
	(pc) =	sbr.rel @!p2 .LBB2_11-.Ltmp9, $4  }
0x73: {  	_ =	swait.ge [sflag:s15], $0x2700  }
0x74: {  	[sflag:s15] =	ssyncset.done $0x0  }
0x75: {  	s24 =	smov.u32 s5;
	[sflag:s15] =	ssyncadd.s32 $0xFFFFD900  }
0x76: {  	_ = 	snop  }
.LBB2_12:
0x77: {  	_ =	sfence.sel $0x180000  }
0x78: {  	[bflag:$0x0] =	sbarrier.arrive $0xFFFF  }
0x79: {  	p0 =	sne.s32 s0, $0x0;
	_ =	strace $0x9000004A  }
0x7a: {  	s0 =	sadd.s32 @!p0 $0x100000, s1;
	[bflag:$0x2] =	sbarrier.arrive $0xFFFF  }
0x7b: {  	[sflag:s0] =	ssyncadd.tile.s32 @!p0 $0x1;
	_ =	shalt  }
.Lfunc_end2:
_tile_overlayer_lowered:
.L_overlay_start_2:
0x7c: {  	(tag) =	ssettag $0x2  }
0x7d: {  	s0 =	rddreg [dreg:$0x0];
	s2 =	stileid.u32  }
0x7e: {  	s1 =	rddreg [dreg:$0x1];
	p0 =	sne.s32 s2, $0x0  }
0x7f: {  	s3 =	rddreg [dreg:$0x2];
	[bflag:$0x3] =	sbarrier.arrive $0xFFFF;
	s2 =	simm.s32 @!p0 $0x1C02  }
0x80: {  	[timem:s3], [sflag:s2] =	dma.local @!p0 [hbm:s0], s1  }
0x81: {  	s0 =	simm.s32 @!p0 $0x2  }
0x82: {  	_ =	swait.ge @!p0 [sflag:s0], s1  }
0x83: {  	s1 =	ssub.s32 @!p0 $0x0, s1;
	[sflag:s0] =	ssyncset.done @!p0 $0x0  }
0x84: {  	[sflag:s0] =	ssyncadd.s32 @!p0 s1  }
0x85: {  	[bflag:$0x3] =	sbarrier.arrive $0xFFFF  }
0x86: {  	_ =	shalt  }

// kernel: kernel.16.cloned.1.call-start
scs
__scs_entry_jumppad:
0x0: {  	(pc) =	sbr.rel $0x88, $3  }
0x1: {  	(tag) =	ssettag $0x0;
	lr =	simm.s32 $0x1  }
0x2: {  	[smem:$0x3F8C] =	sst lr;
	_ =	strace $0xD0000000  }
0x3: {  	_ = 	snop  }
0x4: {  	_ = 	snop  }
0x5: {  	_ = 	snop  }
0x6: {  	_ = 	snop  }
0x7: {  	_ = 	snop  }
__scs_overlays_trampoline_lowered:
0x8: {  	[smem:$0x3F9B] =	sst s0  }
0x9: {  	[smem:$0x3F9C] =	sst s1  }
0xa: {  	[smem:$0x3F9D] =	sst s2  }
0xb: {  	[smem:$0x3F9E] =	sst s3  }
0xc: {  	[smem:$0x3F9F] =	sst s4  }
0xd: {  	[smem:$0x3FA0] =	sst s5  }
0xe: {  	[smem:$0x3FA1] =	sst s6  }
0xf: {  	[smem:$0x3FA2] =	sst s7  }
0x10: {  	[smem:$0x3FA3] =	sst s8  }
0x11: {  	[smem:$0x3FA4] =	sst s9;
	s0 =	simm.s32 @!p0 $0x0  }
0x12: {  	s1 =	sld [smem:$0x3F8A];
	s0 =	simm.s32 @p0 $0x1  }
0x13: {  	[smem:$0x3FA5] =	sst s0;
	s0 =	simm.s32 @!p1 $0x0  }
0x14: {  	s2 =	sld [smem:$0x3F89];
	s0 =	simm.s32 @p1 $0x1  }
0x15: {  	[smem:$0x3FA6] =	sst s0;
	s0 =	simm.s32 @!p2 $0x0  }
0x16: {  	s3 =	sld [smem:$0x3FDB];
	s0 =	simm.s32 @p2 $0x1  }
0x17: {  	s4 =	simm.s32 $0x1BF5;
	[smem:$0x3FA8] =	sst s0  }
0x18: {  	s0 =	sld [smem:$0x3F8B];
	_ =	swait.ge [sflag:s4], $0x0  }
0x19: {  	s7 =	sld [smem:$0x3F8C]  }
0x1a: {  	s8 =	sadd.s32 $0xFFFFE003, lr  }
0x1b: {  	s9 =	sadd.s32 $0xFFFFFEF7, lr;
	s5 =	simm.s32 $0xFFFFFFFF;
	p2 =	slt.u32 s8, $0xFFFFF086  }
0x1c: {  	p1 =	slt.u32 s9, $0xF7A;
	s5 =	simm.s32 @!p2 $0x0  }
0x1d: {  	s5 =	simm.s32 @p1 $0x1;
	p0 =	seq.s32 s7, s2  }
0x1e: {  	s7 =	smul.u32 @!p0 $0xF7A, s2;
	p2 =	seq.s32 @!p0 s5, $0x0  }
0x1f: {  	s9 =	smul.u32 $0xF7A, s1;
	s8 =	simm.s32 @!p0 $0x1BF5;
	p2 =	por !p2, p0  }
0x20: {  	[sflag:s8] =	ssyncset.s32 @!p0 $0xFFFFF086;
	s6 =	sadd.s32 @!p0 s3, s7;
	s7 =	simm.s32 @!p0 $0x108  }
0x21: {  	s3 =	sadd.s32 s3, s9;
	s6 =	sadd.s32 @!p0 $0x88, s6;
	s7 =	simm.s32 @p2 $0x1082  }
0x22: {  	[simem:s7], [sflag:s8] =	dma.local @!p0 [hbm:s6], $0xF7A  }
0x23: {  	s9 =	sor.u32 $0xD0000000, s2;
	s6 =	simm.s32 $0x108;
	_ =	swait.ge @!p0 [sflag:s8], $0x0  }
0x24: {  	s3 =	sadd.s32 $0x88, s3;
	s6 =	simm.s32 @!p1 $0x1082;
	[sflag:s4] =	ssyncset.s32 $0xFFFFF086  }
0x25: {  	[simem:s6], [sflag:s4] =	dma.local [hbm:s3], $0xF7A  }
0x26: {  	[smem:$0x3F8C] =	sst s1;
	(tag) =	ssettag s2;
	_ =	strace s9  }
0x27: {  	s1 =	sld [smem:$0x3F9C]  }
0x28: {  	s2 =	sld [smem:$0x3F9D]  }
0x29: {  	s4 =	sld [smem:$0x3F9F]  }
0x2a: {  	p0 =	seq.s32 s5, $0x0;
	s5 =	sld [smem:$0x3FA0]  }
0x2b: {  	s6 =	sld [smem:$0x3FA1]  }
0x2c: {  	s7 =	sld [smem:$0x3FA2]  }
0x2d: {  	s3 =	simm.s32 $0x108;
	s8 =	sld [smem:$0x3FA3]  }
0x2e: {  	s3 =	simm.s32 @!p0 $0x1082;
	s9 =	sld [smem:$0x3FA4]  }
0x2f: {  	lr =	sadd.s32 s0, s3;
	s0 =	sld [smem:$0x3F9B]  }
0x30: {  	s3 =	sld [smem:$0x3F9E]  }
0x31: {  	[smem:$0x3FA7] =	sst s10  }
0x32: {  	s10 =	sld [smem:$0x3FA5];
	_ =	sdelay $0x3  }
0x33: {  	p0 =	seq.s32 s10, $0x1;
	s10 =	sld [smem:$0x3FA7];
	_ =	sdelay $0x3  }
0x34: {  	[smem:$0x3FA7] =	sst s10  }
0x35: {  	s10 =	sld [smem:$0x3FA6];
	_ =	sdelay $0x3  }
0x36: {  	p1 =	seq.s32 s10, $0x1;
	s10 =	sld [smem:$0x3FA7];
	_ =	sdelay $0x3  }
0x37: {  	[smem:$0x3FA7] =	sst s10  }
0x38: {  	s10 =	sld [smem:$0x3FA8]  }
0x39: {  	_ = 	snop;
	(pc) =	sbr.ind lr, $3  }
0x3a: {  	_ = 	snop  }
0x3b: {  	_ = 	snop  }
0x3c: {  	p2 =	seq.s32 s10, $0x1;
	s10 =	sld [smem:$0x3FA7]  }
0x3d: {  	_ =	shalt  }
0x3e: {  	_ =	shalt  }
0x3f: {  	_ =	shalt  }
0x40: {  	_ =	shalt  }
0x41: {  	_ =	shalt  }
0x42: {  	_ =	shalt  }
0x43: {  	_ =	shalt  }
0x44: {  	_ =	shalt  }
0x45: {  	_ =	shalt  }
0x46: {  	_ =	shalt  }
0x47: {  	_ =	shalt  }
0x48: {  	_ =	shalt  }
0x49: {  	_ =	shalt  }
0x4a: {  	_ =	shalt  }
0x4b: {  	_ =	shalt  }
0x4c: {  	_ =	shalt  }
0x4d: {  	_ =	shalt  }
0x4e: {  	_ =	shalt  }
0x4f: {  	_ =	shalt  }
0x50: {  	_ =	shalt  }
0x51: {  	_ =	shalt  }
0x52: {  	_ =	shalt  }
0x53: {  	_ =	shalt  }
0x54: {  	_ =	shalt  }
0x55: {  	_ =	shalt  }
0x56: {  	_ =	shalt  }
0x57: {  	_ =	shalt  }
0x58: {  	_ =	shalt  }
0x59: {  	_ =	shalt  }
0x5a: {  	_ =	shalt  }
0x5b: {  	_ =	shalt  }
0x5c: {  	_ =	shalt  }
0x5d: {  	_ =	shalt  }
0x5e: {  	_ =	shalt  }
0x5f: {  	_ =	shalt  }
0x60: {  	_ =	shalt  }
0x61: {  	_ =	shalt  }
0x62: {  	_ =	shalt  }
0x63: {  	_ =	shalt  }
0x64: {  	_ =	shalt  }
0x65: {  	_ =	shalt  }
0x66: {  	_ =	shalt  }
0x67: {  	_ =	shalt  }
0x68: {  	_ =	shalt  }
0x69: {  	_ =	shalt  }
0x6a: {  	_ =	shalt  }
0x6b: {  	_ =	shalt  }
0x6c: {  	_ =	shalt  }
0x6d: {  	_ =	shalt  }
0x6e: {  	_ =	shalt  }
0x6f: {  	_ =	shalt  }
0x70: {  	_ =	shalt  }
0x71: {  	_ =	shalt  }
0x72: {  	_ =	shalt  }
0x73: {  	_ =	shalt  }
0x74: {  	_ =	shalt  }
0x75: {  	_ =	shalt  }
0x76: {  	_ =	shalt  }
0x77: {  	_ =	shalt  }
0x78: {  	_ =	shalt  }
0x79: {  	_ =	shalt  }
0x7a: {  	_ =	shalt  }
0x7b: {  	_ =	shalt  }
0x7c: {  	_ =	shalt  }
0x7d: {  	_ =	shalt  }
0x7e: {  	_ =	shalt  }
0x7f: {  	_ =	shalt  }
0x80: {  	_ =	shalt  }
0x81: {  	_ =	shalt  }
0x82: {  	_ =	shalt  }
0x83: {  	_ =	shalt  }
0x84: {  	_ =	shalt  }
0x85: {  	_ =	shalt  }
0x86: {  	_ =	shalt  }
0x87: {  	_ =	shalt  }
.Lfunc_end0:
.L_simem_size_0:
called_computation.2_lowered:
.L_overlay_start_0:
0x88: {  	s2 =	sld [smem:$0x3FD9]  }
0x89: {  	s3 =	sld [smem:$0x3FFE];
	_ =	sdelay $0x1  }
0x8a: {  	s1 =	srdreg.scid  }
0x8b: {  	s0 =	sand.u32 $0x1, s1  }
0x8c: {  	s16 =	sshll.u32 s0, $0xA;
	s2 =	sadd.s32 s3, s2  }
0x8d: {  	s2 =	sadd.s32 s2, s16  }
0x8e: {  	[smem:$0x3FB3] =	sst s2  }
0x8f: {  	_ = 	snop  }
0x90: {  	(tm) =	ssettm $0x1  }
0x91: {  	s17 =	sld [smem:$0x3FFB];
	_ =	sdelay $0x3  }
0x92: {  	_ =	strace s17  }
0x93: {  	s2 =	sld [smem:$0x3FFC];
	_ =	sdelay $0x3  }
0x94: {  	_ =	strace s2  }
0x95: {  	s2 =	sld [smem:$0x3FFD];
	_ =	sdelay $0x3  }
0x96: {  	_ =	strace s2  }
0x97: {  	_ =	strace $0x8FFFFFFF  }
0x98: {  	s18 =	sld [smem:$0x3FDB];
	_ =	sdelay $0x1  }
0x99: {  	s19 =	simm.s32 $_scs_section_size  }
0x9a: {  	s4 =	simm.s32 $_size__tile_overlayer_lowered;
	s5 =	simm.s32 $_tile_overlayer_lowered  }
0x9b: {  	s22 =	simm.s32 $0x1BFF;
	s21 =	sshll.u32 s5, $0x1;
	s2 =	sadd.s32 s19, s18  }
0x9c: {  	s6 =	simm.s32 $0x0;
	s20 =	sshll.u32 s4, $0x1;
	s4 =	sadd.s32 s21, s2  }
0x9d: {  	[timem:s6], [sflag:s22] =	dma.local [hbm:s4], s20  }
0x9e: {  	_ =	swait.ge [sflag:s22], s20  }
0x9f: {  	s3 =	ssub.s32 $0x0, s20;
	[sflag:s22] =	ssyncset.done $0x0  }
0xa0: {  	[sflag:s22] =	ssyncadd.s32 s3;
	_ =	sdelay $0x1  }
0xa1: {  	s23 =	simm.s32 $0x1B8B  }
0xa2: {  	_ =	swait.ge [sflag:s23], $0x1  }
0xa3: {  	[sflag:s23] =	ssyncset.done $0x0  }
0xa4: {  	s25 =	simm.s32 $0x1B8E;
	s24 =	sld [smem:$0x3FFE];
	[sflag:s23] =	ssyncadd.s32 $0xFFFFFFFF  }
0xa5: {  	s26 =	simm.s32 $execute0_lowered;
	[smem:$0x3FD2] =	sst s25  }
0xa6: {  	s4 =	sshll.u32 s26, $0x1;
	_ =	strace $0x8000004C;
	[dreg:$0x1] =	wrdreg $0xFFFFFFFF  }
0xa7: {  	s28 =	simm.s32 $_size_execute0_lowered;
	s2 =	sadd.s32 s2, s4;
	[dreg:$0x0] =	wrdreg $0x0  }
0xa8: {  	s4 =	sshll.u32 s28, $0x1;
	[dreg:$0x2] =	wrdreg s2  }
0xa9: {  	[dreg:$0x3] =	wrdreg s4  }
0xaa: {  	[dreg:$0x4] =	wrdreg $0xC0  }
0xab: {  	_ =	task [dreg:s6], $0x5FFFF  }
0xac: {  	[dreg:$0x1] =	wrdreg $0xFFFFFFFF  }
0xad: {  	[dreg:$0x0] =	wrdreg $0x60  }
0xae: {  	[dreg:$0x2] =	wrdreg s24  }
0xaf: {  	[dreg:$0x3] =	wrdreg $0x0  }
0xb0: {  	[dreg:$0x4] =	wrdreg $0x9  }
0xb1: {  	_ =	task.clear_ibuf [dreg:s6], $0x5FFFF;
	_ =	strace $0x9000004C  }
0xb2: {  	s29 =	simm.s32 $0x9;
	_ =	strace $0x8000004E  }
0xb3: {  	_ =	swait.ge [sflag:s29], $0x1  }
0xb4: {  	[sflag:s29] =	ssyncadd.s32 $0xFFFFFFFF  }
0xb5: {  	_ =	strace $0x9000004E  }
0xb6: {  	_ =	sfence  }
0xb7: {  	s30 =	sld [smem:$0x0];
	_ =	sdelay $0x2  }
0xb8: {  	s31 =	sshll.u32 s1, $0xD;
	s1 =	sshrl.u32 s1, $0x2  }
0xb9: {  	s3 =	sand.u32 $0x4000, s31;
	s1 =	sadd.s32 s1, s30  }
0xba: {  	s0 =	sor.u32 s3, s0;
	s1 =	sshll.u32 s1, $0x11  }
0xbb: {  	s0 =	sor.u32 s1, s0  }
0xbc: {  	s0 =	sadd.s32 $0x8F2B, s0  }
0xbd: {  	[sflag:s0] =	ssyncadd.remote.s32 $0x1  }
0xbe: {  	_ =	sfence.sel $0xFFFF  }
0xbf: {  	[dreg:$0x0] =	wrdreg $0xFFFFFFFF;
	(pc) =	sbr.abs _section_cstart, $3  }
0xc0: {  	[dreg:$0x1] =	wrdreg $0xFFFFFFFF  }
0xc1: {  	_ =	task.clear_ibuf [dreg:s6], $0x2FFFF;
	_ =	strace $0x9FFFFFFF  }
0xc2: {  	(tm) =	ssettm $0x7FFFFFFF  }
0xc3: {  	_ =	shalt  }
tec
execute0_lowered:
.L_overlay_start_1:
0x0: {  	(tag) =	ssettag $0x1  }
0x1: {  	s1 =	srdreg.scid;
	s6 =	rddreg [dreg:$0x0]  }
0x2: {  	s0 =	stileid.u32;
	s2 =	rddreg [dreg:$0x1]  }
0x3: {  	s3 =	simm.s32 $0x0;
	s14 =	simm.s32 $0x16180;
	s15 =	simm.s32 $0x2  }
0x4: {  	s16 =	simm.s32 $0x13880;
	s17 =	simm.s32 $0x13900;
	s18 =	simm.s32 $0x50  }
0x5: {  	s19 =	simm.s32 $0x13980;
	s20 =	simm.s32 $0x1;
	s4 =	smul.u32 $0x4E20, s0  }
0x6: {  	s7 =	sand.u32 $0x1, s1;
	s1 =	rddreg [dreg:$0x2];
	s9 =	smul.u32 $0x4E000, s0  }
0x7: {  	s22 =	simm.s32 $0x0;
	[smem:$0x7FF] =	sst s3;
	s11 =	smul.u32 $0x2700, s0  }
0x8: {  	s12 =	smul.u32 $0x4E200, s0;
	s21 =	sadd.s32 $0x138000, s2;
	p1 =	sne.s32 s0, $0xF  }
0x9: {  	p2 =	seq.s32 s0, $0xF;
	s5 =	smul.u32 $0x2710, s7;
	_ =	strace $0x8000004D  }
0xa: {  	s8 =	ssub.s32 $0x2, s7;
	p0 =	seq.s32 s7, $0x1;
	s21 =	sshrl.u32 s21, $0x3  }
0xb: {  	s10 =	sshrl.u32 s8, $0x1;
	s30 =	sshrl.u32 s9, $0x2;
	s31 =	sshrl.u32 s12, $0x2  }
.Ltmp0:
0xc: {  	s4 =	sadd.s32 s5, s4;
	s10 =	ssub.s32 s8, s10;
	(pc) =	sbr.rel .LBB2_1-.Ltmp0, $4  }
0xd: {  	s7 =	sadd.s32 s30, s2;
	s5 =	sshrl.u32 s4, $0x3;
	s4 =	sadd.s32 $0x18A00, s6  }
0xe: {  	s13 =	sadd.s32 s5, s6;
	s5 =	sadd.s32 $0x3FC00, s6;
	s6 =	sadd.s32 $0x66E00, s6  }
0xf: {  	s10 =	smax.u32 s10, $0x1;
	s8 =	sadd.s32 s5, s11;
	s9 =	sadd.s32 s6, s11  }
0x10: {  	v0 =	vimm.f32 $0.0e+00;
	s11 =	sadd.s32 s31, s2;
	s12 =	sadd.s32 $0x4E00, s13;
	s13 =	sadd.s32 $0xEC00, s13  }
.LBB2_10:
0x11: {  	s24 =	sadd.s32 $0x27000, s24  }
0x12: {  	[hbm:s24], [sflag:s23] =	dma.local [spmem:s21], $0x100  }
0x13: {  	_ =	swait.ge [sflag:s15], $0x100  }
0x14: {  	[sflag:s15] =	ssyncset.done $0x0  }
0x15: {  	[sflag:s15] =	ssyncadd.s32 $0xFFFFFF00  }
.LBB2_11:
0x16: {  	s22 =	sadd.s32 $0x1, s22  }
0x17: {  	p3 =	sne.s32 s22, s10  }
.Ltmp1:
0x18: {  	_ = 	snop;
	(pc) =	sbr.rel @!p3 .LBB2_12-.Ltmp1, $1  }
0x19: {  	_ =	sdelay $0x3  }
.LBB2_1:
0x1a: {  	s23 =	simm.s32 $0x0;
	s24 =	simm.s32 $0x200  }
.LBB2_2:
0x1b: {  	p3 =	sne.s32 s24, $0x3000;
	[tilespmem:s23+$0x161F0] =	vst v0  }
0x1c: {  	[tilespmem:s23+$0x16180] =	vst v0  }
0x1d: {  	[tilespmem:s23+$0x16190] =	vst v0  }
.Ltmp2:
0x1e: {  	[tilespmem:s23+$0x161A0] =	vst v0;
	(pc) =	sbr.rel @p3 .LBB2_2-.Ltmp2, $4  }
0x1f: {  	[tilespmem:s23+$0x161B0] =	vst v0  }
0x20: {  	[tilespmem:s23+$0x161C0] =	vst v0  }
0x21: {  	[tilespmem:s23+$0x161D0] =	vst v0  }
0x22: {  	[tilespmem:s23+$0x161E0] =	vst v0;
	s23 =	sshra.s32 s24, $0x2;
	s24 =	sadd.s32 $0x200, s24  }
0x23: {  	[tilespmem:s23+$0x161F0] =	vst v0  }
0x24: {  	[tilespmem:s23+$0x16180] =	vst v0  }
0x25: {  	[tilespmem:s23+$0x16190] =	vst v0  }
0x26: {  	[tilespmem:s23+$0x161A0] =	vst v0  }
0x27: {  	[tilespmem:s23+$0x161B0] =	vst v0  }
0x28: {  	[tilespmem:s23+$0x161C0] =	vst v0  }
0x29: {  	[tilespmem:s23+$0x161D0] =	vst v0  }
0x2a: {  	[tilespmem:s23+$0x161E0] =	vst v0;
	s31 =	sadd.s32 $0x0, s11  }
0x2b: {  	[spmem:s31] =	stream.linear.scatter [tilespmem:s14], [sflag:$0x2], $0xC80, $0x38;
	[tilespmem:$0x17180] =	vst v63  }
0x2c: {  	s23 =	simm.s32 $0x3200;
	_ =	swait.ge [sflag:s15], $0xC80  }
.LBB2_4:
0x2d: {  	s24 =	sshra.s32 s23, $0x2;
	[sflag:s15] =	ssyncset.done $0x0;
	p3 =	sne.s32 s23, $0x4B000  }
.Ltmp3:
0x2e: {  	s24 =	sadd.s32 s24, s11;
	[sflag:s15] =	ssyncadd.s32 $0xFFFFF380;
	(pc) =	sbr.rel @p3 .LBB2_4-.Ltmp3, $3  }
0x2f: {  	[spmem:s24] =	stream.linear.scatter [tilespmem:s14], [sflag:$0x2], $0xC80, $0x38;
	[tilespmem:$0x17180] =	vst v63  }
0x30: {  	s23 =	sadd.s32 $0x3200, s23;
	_ =	sdelay $0x1  }
0x31: {  	_ =	swait.ge [sflag:s15], $0xC80  }
0x32: {  	[sflag:s15] =	ssyncset.done $0x0  }
0x33: {  	[sflag:s15] =	ssyncadd.s32 $0xFFFFF380  }
0x34: {  	s23 =	sadd.s32 $0x0, s13;
	[bflag:$0x0] =	sbarrier.arrive $0xFFFF  }
0x35: {  	[tilespmem:s16], [sflag:$0x2] =	stream.linear.gather [hbm4b:s23+s3], $0x50, $0x38;
	[tilespmem:$0x17180] =	vst v63  }
0x36: {  	_ =	swait.ge [sflag:s15], $0x50  }
0x37: {  	[sflag:s15] =	ssyncset.done $0x0  }
0x38: {  	s31 =	sadd.s32 $0x0, s12;
	[sflag:s15] =	ssyncadd.s32 $0xFFFFFFB0  }
0x39: {  	[tilespmem:s17], [sflag:$0x2] =	stream.linear.gather [hbm4b:s31+s3], $0x50, $0x38;
	[tilespmem:$0x17180] =	vst v63  }
0x3a: {  	_ =	swait.ge [sflag:s15], $0x50  }
0x3b: {  	[sflag:s15] =	ssyncset.done $0x0  }
0x3c: {  	[sflag:s15] =	ssyncadd.s32 $0xFFFFFFB0  }
0x3d: {  	[tilespmem:s19], [sflag:$0x1] =	stream.indirect.gather [hbm4b:s4+s18], $0x80, s16, s18, $0xb8;
	[tilespmem:$0x17180] =	vst v63  }
0x3e: {  	_ =	swait.ge [sflag:s20], $0x2800  }
0x3f: {  	[sflag:s20] =	ssyncset.done $0x0  }
0x40: {  	[sflag:s20] =	ssyncadd.s32 $0xFFFFD800  }
0x41: {  	[spmem:s2] =	stream.indirect.scatter.add.f32 [tilespmem:s19], [sflag:$0x2], $0x80, s17, s18, $0xb8;
	[tilespmem:$0x17180] =	vst v63  }
0x42: {  	_ =	swait.ge [sflag:s15], $0x2800  }
0x43: {  	s24 =	simm.s32 $0x14;
	s23 =	simm.s32 $0xA;
	[sflag:s15] =	ssyncset.done $0x0  }
.LBB2_6:
0x44: {  	s25 =	sadd.s32 s23, s13  }
0x45: {  	[sflag:s15] =	ssyncadd.s32 $0xFFFFD800;
	s26 =	smov.u32 s24;
	s28 =	sadd.s32 $0xA, s24  }
0x46: {  	[tilespmem:s16], [sflag:$0x2] =	stream.linear.gather [hbm4b:s25+s3], $0x50, $0x38;
	[tilespmem:$0x17180] =	vst v63  }
0x47: {  	p3 =	sne.s32 s24, $0x4D8;
	_ =	swait.ge [sflag:s15], $0x50  }
0x48: {  	[sflag:s15] =	ssyncset.done $0x0  }
0x49: {  	s24 =	sadd.s32 s23, s12;
	s23 =	smov.u32 s26;
	[sflag:s15] =	ssyncadd.s32 $0xFFFFFFB0  }
0x4a: {  	[tilespmem:s17], [sflag:$0x2] =	stream.linear.gather [hbm4b:s24+s3], $0x50, $0x38;
	[tilespmem:$0x17180] =	vst v63  }
0x4b: {  	_ =	swait.ge [sflag:s15], $0x50  }
0x4c: {  	[sflag:s15] =	ssyncset.done $0x0  }
0x4d: {  	[sflag:s15] =	ssyncadd.s32 $0xFFFFFFB0  }
0x4e: {  	[tilespmem:s19], [sflag:$0x1] =	stream.indirect.gather [hbm4b:s4+s18], $0x80, s16, s18, $0xb8;
	[tilespmem:$0x17180] =	vst v63  }
0x4f: {  	_ =	swait.ge [sflag:s20], $0x2800  }
.Ltmp4:
0x50: {  	[sflag:s20] =	ssyncset.done $0x0;
	(pc) =	sbr.rel @p3 .LBB2_6-.Ltmp4, $4  }
0x51: {  	[sflag:s20] =	ssyncadd.s32 $0xFFFFD800  }
0x52: {  	[spmem:s2] =	stream.indirect.scatter.add.f32 [tilespmem:s19], [sflag:$0x2], $0x80, s17, s18, $0xb8;
	[tilespmem:$0x17180] =	vst v63  }
0x53: {  	_ =	swait.ge [sflag:s15], $0x2800  }
0x54: {  	s24 =	smov.u32 s28;
	[sflag:s15] =	ssyncset.done $0x0  }
0x55: {  	s24 =	sadd.s32 s23, s13;
	[sflag:s15] =	ssyncadd.s32 $0xFFFFD800  }
0x56: {  	[tilespmem:s16], [sflag:$0x2] =	stream.linear.gather [hbm4b:s24+s3], $0x50, $0x38;
	[tilespmem:$0x17180] =	vst v63  }
0x57: {  	_ =	swait.ge [sflag:s15], $0x50  }
0x58: {  	[sflag:s15] =	ssyncset.done $0x0  }
0x59: {  	s31 =	sadd.s32 s23, s12;
	[sflag:s15] =	ssyncadd.s32 $0xFFFFFFB0  }
0x5a: {  	[tilespmem:s17], [sflag:$0x2] =	stream.linear.gather [hbm4b:s31+s3], $0x50, $0x38;
	[tilespmem:$0x17180] =	vst v63  }
0x5b: {  	_ =	swait.ge [sflag:s15], $0x50  }
0x5c: {  	[sflag:s15] =	ssyncset.done $0x0  }
0x5d: {  	[sflag:s15] =	ssyncadd.s32 $0xFFFFFFB0  }
0x5e: {  	[tilespmem:s19], [sflag:$0x1] =	stream.indirect.gather [hbm4b:s4+s18], $0x80, s16, s18, $0xb8;
	[tilespmem:$0x17180] =	vst v63  }
0x5f: {  	_ =	swait.ge [sflag:s20], $0x2800  }
0x60: {  	[sflag:s20] =	ssyncset.done $0x0  }
0x61: {  	[sflag:s20] =	ssyncadd.s32 $0xFFFFD800  }
0x62: {  	[spmem:s2] =	stream.indirect.scatter.add.f32 [tilespmem:s19], [sflag:$0x2], $0x80, s17, s18, $0xb8;
	[tilespmem:$0x17180] =	vst v63  }
.Ltmp5:
0x63: {  	_ =	swait.ge [sflag:s15], $0x2800;
	(pc) =	sbr.rel @!p0 .LBB2_8-.Ltmp5, $4  }
0x64: {  	[sflag:s15] =	ssyncset.done $0x0  }
0x65: {  	[sflag:s15] =	ssyncadd.s32 $0xFFFFD800  }
0x66: {  	s25 =	sshll.u32 s0, $0x6;
	[bflag:$0x0] =	sbarrier.arrive $0xFFFF  }
0x67: {  	s24 =	sshrl.u32 s7, $0x3;
	s23 =	sor.u32 $0x1C02, s25  }
0x68: {  	s23 =	sor.u32 $0x1C02, s25  }
0x69: {  	[hbm:s9], [sflag:s23] =	dma.local [spmem:s24], $0x2700  }
.Ltmp6:
0x6a: {  	_ = 	snop;
	(pc) =	sbr.rel @p1 .LBB2_11-.Ltmp6, $4  }
.Ltmp7:
0x6b: {  	_ = 	snop;
	(pc) =	sbr.rel @!p1 .LBB2_10-.Ltmp7, $4  }
0x6c: {  	_ =	swait.ge [sflag:s15], $0x2700  }
0x6d: {  	[sflag:s15] =	ssyncset.done $0x0  }
0x6e: {  	s24 =	smov.u32 s6;
	[sflag:s15] =	ssyncadd.s32 $0xFFFFD900  }
0x6f: {  	_ = 	snop  }
.LBB2_8:
0x70: {  	[hbm:s8], [sflag:s23] =	dma.local [spmem:s24], $0x2700  }
.Ltmp8:
0x71: {  	_ = 	snop;
	(pc) =	sbr.rel @p2 .LBB2_10-.Ltmp8, $4  }
.Ltmp9:
0x72: {  	_ = 	snop;
	(pc) =	sbr.rel @!p2 .LBB2_11-.Ltmp9, $4  }
0x73: {  	_ =	swait.ge [sflag:s15], $0x2700  }
0x74: {  	[sflag:s15] =	ssyncset.done $0x0  }
0x75: {  	s24 =	smov.u32 s5;
	[sflag:s15] =	ssyncadd.s32 $0xFFFFD900  }
0x76: {  	_ = 	snop  }
.LBB2_12:
0x77: {  	_ =	sfence.sel $0x180000  }
0x78: {  	[bflag:$0x0] =	sbarrier.arrive $0xFFFF  }
0x79: {  	p0 =	sne.s32 s0, $0x0;
	_ =	strace $0x9000004D  }
0x7a: {  	s0 =	sadd.s32 @!p0 $0x100000, s1;
	[bflag:$0x2] =	sbarrier.arrive $0xFFFF  }
0x7b: {  	[sflag:s0] =	ssyncadd.tile.s32 @!p0 $0x1;
	_ =	shalt  }
.Lfunc_end2:
_tile_overlayer_lowered:
.L_overlay_start_2:
0x7c: {  	(tag) =	ssettag $0x2  }
0x7d: {  	s0 =	rddreg [dreg:$0x0];
	s2 =	stileid.u32  }
0x7e: {  	s1 =	rddreg [dreg:$0x1];
	p0 =	sne.s32 s2, $0x0  }
0x7f: {  	s3 =	rddreg [dreg:$0x2];
	[bflag:$0x3] =	sbarrier.arrive $0xFFFF;
	s2 =	simm.s32 @!p0 $0x1C02  }
0x80: {  	[timem:s3], [sflag:s2] =	dma.local @!p0 [hbm:s0], s1  }
0x81: {  	s0 =	simm.s32 @!p0 $0x2  }
0x82: {  	_ =	swait.ge @!p0 [sflag:s0], s1  }
0x83: {  	s1 =	ssub.s32 @!p0 $0x0, s1;
	[sflag:s0] =	ssyncset.done @!p0 $0x0  }
0x84: {  	[sflag:s0] =	ssyncadd.s32 @!p0 s1  }
0x85: {  	[bflag:$0x3] =	sbarrier.arrive $0xFFFF  }
0x86: {  	_ =	shalt  }

</sc_bundles>
